<compile_context>
chip_gen: v7x
topology: tpu7x:2x2x1
jax: 0.10.2.dev20260603
libtpu: 0.0.44.dev20260713+nightly
codegen_flags: <defaults>
</compile_context>

<pallas_src>
import functools

import jax
import jax.numpy as jnp
from jax import lax
from jax.experimental import pallas as pl
from jax.experimental.pallas import tpu as pltpu
from jax.experimental.pallas import tpu_sc as plsc

B = 16384
DIM = 128
_ROWS = 7 * 12 * 31
_ROWS_PAD = 2688


def _fuse_tables(week_emb, month_emb, day_emb):
    def body(w_ref, m_ref, d_ref, o_ref):
        r = lax.broadcasted_iota(jnp.int32, (_ROWS_PAD, 1), 0)
        rf = r.astype(jnp.float32)
        q31 = _fdiv(rf, 31)
        w = _fdiv(rf, 372)
        m = q31 - 12 * _fdiv(q31.astype(jnp.float32), 12)
        d = r - 31 * q31
        j = lax.broadcasted_iota(jnp.int32, (_ROWS_PAD, 64), 1)
        valid = r < _ROWS
        one = jnp.float32(1.0)
        h = (jnp.where(valid & (j == w), one, 0.0)
             + jnp.where(valid & (j == 7 + m), one, 0.0)
             + jnp.where(valid & (j == 19 + d), one, 0.0))
        t = jnp.concatenate([w_ref[...], m_ref[...], d_ref[...],
                             jnp.zeros((14, DIM), jnp.float32)], axis=0)
        o_ref[...] = jnp.dot(h, t, preferred_element_type=jnp.float32)

    return pl.pallas_call(
        body,
        out_shape=jax.ShapeDtypeStruct((_ROWS_PAD, DIM), jnp.float32),
    )(week_emb, month_emb, day_emb)


def _fdiv(xf, c):
    return ((xf + 0.5) * (1.0 / c)).astype(jnp.int32)


def _date_indices(tt):
    tf = tt.astype(jnp.float32)
    q = (tf * (1.0 / 86400.0)).astype(jnp.int32)
    r = tt - q * 86400
    q = jnp.where(r >= 86400, q + 1, q)
    q = jnp.where(r < 0, q - 1, q)
    days_f = q.astype(jnp.float32)
    week = (q + 3) - 7 * _fdiv(days_f + 3.0, 7)
    zf = days_f + 719468.0
    era = _fdiv(zf, 146097)
    doe_f = zf - era.astype(jnp.float32) * 146097.0
    yoe = _fdiv(doe_f - _fdiv(doe_f, 1460).astype(jnp.float32)
                + _fdiv(doe_f, 36524).astype(jnp.float32)
                - _fdiv(doe_f, 146096).astype(jnp.float32), 365)
    yoe_f = yoe.astype(jnp.float32)
    doy_f = doe_f - (365.0 * yoe_f + _fdiv(yoe_f, 4).astype(jnp.float32)
                     - _fdiv(yoe_f, 100).astype(jnp.float32))
    mp = _fdiv(5.0 * doy_f + 2.0, 153)
    d0 = doy_f.astype(jnp.int32) - _fdiv(153.0 * mp.astype(jnp.float32) + 2.0, 5)
    m0 = mp + jnp.where(mp < 10, 2, -10)
    return week * 372 + m0 * 31 + d0


def _sc_lookup(t, fused):
    info = plsc.get_sparse_core_info()
    nc, ns = info.num_cores, info.num_subcores
    nw = nc * ns
    bpw = B // nw
    n_chunk = bpw // 128
    mesh = plsc.VectorSubcoreMesh(core_axis_name="c", subcore_axis_name="s")

    stripe = _ROWS_PAD // ns

    @functools.partial(
        pl.kernel, mesh=mesh,
        out_type=jax.ShapeDtypeStruct((B, DIM), jnp.float32),
        scratch_types=[
            pltpu.VMEM((bpw,), jnp.int32),
            pltpu.VMEM((n_chunk, 128), jnp.int32),
            pltpu.VMEM((bpw, DIM), jnp.float32),
            pltpu.VMEM_SHARED((_ROWS_PAD, DIM), jnp.float32),
            pltpu.SemaphoreType.DMA,
            pltpu.SemaphoreType.DMA,
        ],
    )
    def k(t_hbm, fused_hbm, out_hbm, t_v, idx_v, rows_v, f_sp, sem_g, sem_w):
        sid = lax.axis_index("s")
        wid = sid * nc + lax.axis_index("c")
        base = wid * bpw
        stage = pltpu.async_copy(fused_hbm.at[pl.ds(sid * stripe, stripe)],
                                 f_sp.at[pl.ds(sid * stripe, stripe)], sem_g)
        pltpu.sync_copy(t_hbm.at[pl.ds(base, bpw)], t_v)

        def compute_chunk(r):
            def step(c, carry):
                tt = t_v[pl.ds(r * 128 + c * 16, 16)]
                idx_v[r, pl.ds(c * 16, 16)] = _date_indices(tt)
                return carry
            lax.fori_loop(0, 128 // 16, step, 0)

        def gather_chunk(r):
            return pltpu.async_copy(f_sp.at[idx_v.at[r]],
                                    rows_v.at[pl.ds(r * 128, 128)], sem_g)

        def write_chunk(r):
            return pltpu.async_copy(rows_v.at[pl.ds(r * 128, 128)],
                                    out_hbm.at[pl.ds(base + r * 128, 128)],
                                    sem_w)

        for r in range(n_chunk):
            compute_chunk(r)
        stage.wait()
        plsc.subcore_barrier()
        gathers = [gather_chunk(r) for r in range(n_chunk)]
        writes = []
        for r in range(n_chunk):
            gathers[r].wait()
            writes.append(write_chunk(r))
        for wr in writes:
            wr.wait()

    return k(t, fused)


def kernel(t, week_emb, month_emb, day_emb):
    fused = _fuse_tables(week_emb, month_emb, day_emb)
    return _sc_lookup(t.astype(jnp.int32), fused)

# --- scband reference (transcript-rebuilt; emitter-appended) ---
"""Pipeline reference for scband-semantic-encoder-79310866087964 (READ-ONLY COPY).

The authoritative reference and input builder live on the scoring server;
editing this copy changes nothing except your own understanding.
"""

import jax, jax.numpy as jnp
import numpy as np

B = 16384
DIM = 128


def _civil_from_days(days):
    # Howard Hinnant's civil_from_days algorithm; valid for days >= 0 here.
    z = days + 719468
    era = z // 146097
    doe = z - era * 146097
    yoe = (doe - doe // 1460 + doe // 36524 - doe // 146096) // 365
    doy = doe - (365 * yoe + yoe // 4 - yoe // 100)
    mp = (5 * doy + 2) // 153
    d = doy - (153 * mp + 2) // 5 + 1
    m = mp + jnp.where(mp < 10, 3, -9)
    return m, d


def setup_inputs(seed: int = 0) -> dict:
    key = jax.random.key(seed)
    k1, k2, k3, k4 = jax.random.split(key, 4)
    # unix timestamps in seconds; max 2e9 fits in int32
    t = jax.random.randint(k1, (B,), 0, 2000000000)
    week_emb = jax.random.normal(k2, (7, DIM), dtype=jnp.float32) * 0.02
    month_emb = jax.random.normal(k3, (12, DIM), dtype=jnp.float32) * 0.02
    day_emb = jax.random.normal(k4, (31, DIM), dtype=jnp.float32) * 0.02
    return {"t": t, "week_emb": week_emb, "month_emb": month_emb, "day_emb": day_emb}


def reference(t, week_emb, month_emb, day_emb):
    days = t // 86400
    # 1970-01-01 was a Thursday; pandas weekday: Monday=0 -> Thursday=3
    week = (days + 3) % 7
    m, d = _civil_from_days(days)
    week_e = jnp.take(week_emb, week, axis=0)
    day_e = jnp.take(day_emb, d - 1, axis=0)
    month_e = jnp.take(month_emb, m - 1, axis=0)
    return month_e + week_e + day_e

if __name__ == "__main__":
    import jax
    _d = setup_inputs()
    print(jax.jit(kernel)(*tuple(_d.values())))

</pallas_src>

<mosaic_0001>
#map = affine_map<(d0, d1) -> (0)>
#map1 = affine_map<(d0, d1) -> (0, 0)>
module attributes {stable_mosaic.version = 14 : i64} {
  func.func @k(%arg0: i32, %arg1: i32, %arg2: memref<16384xi32, #tpu.memory_space<hbm>>, %arg3: memref<2688x128xf32, #tpu.memory_space<hbm>>, %arg4: memref<16384x128xf32, #tpu.memory_space<hbm>>, %arg5: memref<512xi32, #tpu.memory_space<vmem>>, %arg6: memref<4x128xi32, #tpu.memory_space<vmem>>, %arg7: memref<512x128xf32, #tpu.memory_space<vmem>>, %arg8: memref<2688x128xf32, #tpu.memory_space<vmem_shared>>, %arg9: memref<!tpu.dma_semaphore, #tpu.memory_space<semaphore_mem>>, %arg10: memref<!tpu.dma_semaphore, #tpu.memory_space<semaphore_mem>>) attributes {dimension_semantics = [#tpu.dimension_semantics<core_parallel>, #tpu.dimension_semantics<subcore_parallel>], iteration_bounds = array<i64: 2, 16>, scalar_prefetch = 0 : i64, scratch_operands = 6 : i64, tpu.core_type = #tpu.core_type<sc_vector_subcore>, window_params = [{transform_indices = #map}, {transform_indices = #map1}, {transform_indices = #map1}]} {
    %mul3A = arith.constant 2 : i32
    %mul3A_0 = arith.muli %arg1, %mul3A : i32
    %add3A = arith.addi %mul3A_0, %arg0 : i32
    %mul3A_1 = arith.constant 512 : i32
    %mul3A_2 = arith.muli %add3A, %mul3A_1 : i32
    %mul3A_3 = arith.constant 168 : i32
    %mul3A_4 = arith.muli %arg1, %mul3A_3 : i32
    %mul3A_5 = arith.constant 168 : i32
    %mul3A_6 = arith.muli %arg1, %mul3A_5 : i32
    %dma_start3A = arith.constant 0 : i32
    %dma_start3A_7 = tpu.memref_slice %arg8[%mul3A_6, %dma_start3A] : memref<2688x128xf32, #tpu.memory_space<vmem_shared>> -> memref<168x128xf32, #tpu.memory_space<vmem_shared>>
    %dma_start3A_8 = arith.constant 0 : i32
    %dma_start3A_9 = tpu.memref_slice %arg3[%mul3A_4, %dma_start3A_8] : memref<2688x128xf32, #tpu.memory_space<hbm>> -> memref<168x128xf32, #tpu.memory_space<hbm>>
    tpu.enqueue_dma source(%dma_start3A_9 : memref<168x128xf32, #tpu.memory_space<hbm>>) target(%dma_start3A_7 : memref<168x128xf32, #tpu.memory_space<vmem_shared>>) target_semaphore(%arg9 : memref<!tpu.dma_semaphore, #tpu.memory_space<semaphore_mem>>)
    "tpu.region"() ({
      %run_scoped3A = tpu.sem_alloc : memref<!tpu.dma_semaphore, #tpu.memory_space<semaphore_mem>>
      %dma_start3A_204 = tpu.memref_slice %arg2[%mul3A_2] : memref<16384xi32, #tpu.memory_space<hbm>> -> memref<512xi32, #tpu.memory_space<hbm>>
      %dma_start3A_205 = tpu.memref_slice %arg2[%mul3A_2] : memref<16384xi32, #tpu.memory_space<hbm>> -> memref<512xi32, #tpu.memory_space<hbm>>
      tpu.enqueue_dma source(%dma_start3A_205 : memref<512xi32, #tpu.memory_space<hbm>>) target(%arg5 : memref<512xi32, #tpu.memory_space<vmem>>) target_semaphore(%run_scoped3A : memref<!tpu.dma_semaphore, #tpu.memory_space<semaphore_mem>>)
      %dma_wait3A_206 = tpu.memref_slice %arg2[%mul3A_2] : memref<16384xi32, #tpu.memory_space<hbm>> -> memref<512xi32, #tpu.memory_space<hbm>>
      %dma_wait3A_207 = tpu.memref_slice %arg2[%mul3A_2] : memref<16384xi32, #tpu.memory_space<hbm>> -> memref<512xi32, #tpu.memory_space<hbm>>
      tpu.wait_dma2 semaphore(%run_scoped3A : memref<!tpu.dma_semaphore, #tpu.memory_space<semaphore_mem>>) src(%dma_wait3A_207 : memref<512xi32, #tpu.memory_space<hbm>>) dst(%arg5 : memref<512xi32, #tpu.memory_space<vmem>>)
      tpu.yield
    }) : () -> ()
    %scan3A = arith.constant 0 : i32
    %scan3A_10 = arith.constant 0 : i32
    %scan3A_11 = arith.constant 8 : i32
    %scan3A_12 = arith.addi %scan3A_10, %scan3A_11 : i32
    %scan3A_13 = arith.constant 1 : i32
    scf.for %scan3A_204 = %scan3A_10 to %scan3A_12 step %scan3A_13  : i32 {
      %mul3A_205 = arith.constant 16 : i32
      %mul3A_206 = arith.muli %scan3A_204, %mul3A_205 : i32
      %add3A_207 = arith.constant 0 : i32
      %add3A_208 = arith.addi %add3A_207, %mul3A_206 : i32
      %get3A = arith.index_cast %add3A_208 : i32 to index
      %get3A_209 = tpu.vector_load %arg5[%get3A] {strides = array<i32>} : memref<512xi32, #tpu.memory_space<vmem>>, vector<16xi32>,
      %get3A_210 = vector.shape_cast %get3A_209 : vector<16xi32> to vector<16xi32>
      %convert_element_type3A = arith.sitofp %get3A_210 : vector<16xi32> to vector<16xf32>
      %mul3A_211 = arith.constant 1.15740741E-5 : f32
      %mul3A_212 = vector.broadcast %mul3A_211 : f32 to vector<16xf32>
      %mul3A_213 = arith.mulf %convert_element_type3A, %mul3A_212 : vector<16xf32>
      %convert_element_type3A_214 = arith.fptosi %mul3A_213 : vector<16xf32> to vector<16xi32>
      %mul3A_215 = arith.constant 86400 : i32
      %mul3A_216 = vector.broadcast %mul3A_215 : i32 to vector<16xi32>
      %mul3A_217 = arith.muli %convert_element_type3A_214, %mul3A_216 : vector<16xi32>
      %sub3A = arith.subi %get3A_210, %mul3A_217 : vector<16xi32>
      %ge3A = arith.constant 86400 : i32
      %ge3A_218 = vector.broadcast %ge3A : i32 to vector<16xi32>
      %ge3A_219 = arith.cmpi sge, %sub3A, %ge3A_218 : vector<16xi32>
      %add3A_220 = arith.constant 1 : i32
      %add3A_221 = vector.broadcast %add3A_220 : i32 to vector<16xi32>
      %add3A_222 = arith.addi %convert_element_type3A_214, %add3A_221 : vector<16xi32>
      %select_n3A = arith.select %ge3A_219, %add3A_222, %convert_element_type3A_214 : vector<16xi1>, vector<16xi32>
      %lt3A = arith.constant 0 : i32
      %lt3A_223 = vector.broadcast %lt3A : i32 to vector<16xi32>
      %lt3A_224 = arith.cmpi slt, %sub3A, %lt3A_223 : vector<16xi32>
      %sub3A_225 = arith.constant 1 : i32
      %sub3A_226 = vector.broadcast %sub3A_225 : i32 to vector<16xi32>
      %sub3A_227 = arith.subi %select_n3A, %sub3A_226 : vector<16xi32>
      %select_n3A_228 = arith.select %lt3A_224, %sub3A_227, %select_n3A : vector<16xi1>, vector<16xi32>
      %convert_element_type3A_229 = arith.sitofp %select_n3A_228 : vector<16xi32> to vector<16xf32>
      %add3A_230 = arith.constant 3 : i32
      %add3A_231 = vector.broadcast %add3A_230 : i32 to vector<16xi32>
      %add3A_232 = arith.addi %select_n3A_228, %add3A_231 : vector<16xi32>
      %add3A_233 = arith.constant 3.000000e+00 : f32
      %add3A_234 = vector.broadcast %add3A_233 : f32 to vector<16xf32>
      %add3A_235 = arith.addf %convert_element_type3A_229, %add3A_234 : vector<16xf32>
      %add3A_236 = arith.constant 5.000000e-01 : f32
      %add3A_237 = vector.broadcast %add3A_236 : f32 to vector<16xf32>
      %add3A_238 = arith.addf %add3A_235, %add3A_237 : vector<16xf32>
      %mul3A_239 = arith.constant 0.142857149 : f32
      %mul3A_240 = vector.broadcast %mul3A_239 : f32 to vector<16xf32>
      %mul3A_241 = arith.mulf %add3A_238, %mul3A_240 : vector<16xf32>
      %convert_element_type3A_242 = arith.fptosi %mul3A_241 : vector<16xf32> to vector<16xi32>
      %mul3A_243 = arith.constant 7 : i32
      %mul3A_244 = vector.broadcast %mul3A_243 : i32 to vector<16xi32>
      %mul3A_245 = arith.muli %mul3A_244, %convert_element_type3A_242 : vector<16xi32>
      %sub3A_246 = arith.subi %add3A_232, %mul3A_245 : vector<16xi32>
      %add3A_247 = arith.constant 7.194680e+05 : f32
      %add3A_248 = vector.broadcast %add3A_247 : f32 to vector<16xf32>
      %add3A_249 = arith.addf %convert_element_type3A_229, %add3A_248 : vector<16xf32>
      %add3A_250 = arith.constant 5.000000e-01 : f32
      %add3A_251 = vector.broadcast %add3A_250 : f32 to vector<16xf32>
      %add3A_252 = arith.addf %add3A_249, %add3A_251 : vector<16xf32>
      %mul3A_253 = arith.constant 6.84476754E-6 : f32
      %mul3A_254 = vector.broadcast %mul3A_253 : f32 to vector<16xf32>
      %mul3A_255 = arith.mulf %add3A_252, %mul3A_254 : vector<16xf32>
      %convert_element_type3A_256 = arith.fptosi %mul3A_255 : vector<16xf32> to vector<16xi32>
      %convert_element_type3A_257 = arith.sitofp %convert_element_type3A_256 : vector<16xi32> to vector<16xf32>
      %mul3A_258 = arith.constant 1.460970e+05 : f32
      %mul3A_259 = vector.broadcast %mul3A_258 : f32 to vector<16xf32>
      %mul3A_260 = arith.mulf %convert_element_type3A_257, %mul3A_259 : vector<16xf32>
      %sub3A_261 = arith.subf %add3A_249, %mul3A_260 : vector<16xf32>
      %add3A_262 = arith.constant 5.000000e-01 : f32
      %add3A_263 = vector.broadcast %add3A_262 : f32 to vector<16xf32>
      %add3A_264 = arith.addf %sub3A_261, %add3A_263 : vector<16xf32>
      %mul3A_265 = arith.constant 6.84931525E-4 : f32
      %mul3A_266 = vector.broadcast %mul3A_265 : f32 to vector<16xf32>
      %mul3A_267 = arith.mulf %add3A_264, %mul3A_266 : vector<16xf32>
      %convert_element_type3A_268 = arith.fptosi %mul3A_267 : vector<16xf32> to vector<16xi32>
      %convert_element_type3A_269 = arith.sitofp %convert_element_type3A_268 : vector<16xi32> to vector<16xf32>
      %sub3A_270 = arith.subf %sub3A_261, %convert_element_type3A_269 : vector<16xf32>
      %add3A_271 = arith.constant 5.000000e-01 : f32
      %add3A_272 = vector.broadcast %add3A_271 : f32 to vector<16xf32>
      %add3A_273 = arith.addf %sub3A_261, %add3A_272 : vector<16xf32>
      %mul3A_274 = arith.constant 2.73792575E-5 : f32
      %mul3A_275 = vector.broadcast %mul3A_274 : f32 to vector<16xf32>
      %mul3A_276 = arith.mulf %add3A_273, %mul3A_275 : vector<16xf32>
      %convert_element_type3A_277 = arith.fptosi %mul3A_276 : vector<16xf32> to vector<16xi32>
      %convert_element_type3A_278 = arith.sitofp %convert_element_type3A_277 : vector<16xi32> to vector<16xf32>
      %add3A_279 = arith.addf %sub3A_270, %convert_element_type3A_278 : vector<16xf32>
      %add3A_280 = arith.constant 5.000000e-01 : f32
      %add3A_281 = vector.broadcast %add3A_280 : f32 to vector<16xf32>
      %add3A_282 = arith.addf %sub3A_261, %add3A_281 : vector<16xf32>
      %mul3A_283 = arith.constant 6.84481438E-6 : f32
      %mul3A_284 = vector.broadcast %mul3A_283 : f32 to vector<16xf32>
      %mul3A_285 = arith.mulf %add3A_282, %mul3A_284 : vector<16xf32>
      %convert_element_type3A_286 = arith.fptosi %mul3A_285 : vector<16xf32> to vector<16xi32>
      %convert_element_type3A_287 = arith.sitofp %convert_element_type3A_286 : vector<16xi32> to vector<16xf32>
      %sub3A_288 = arith.subf %add3A_279, %convert_element_type3A_287 : vector<16xf32>
      %add3A_289 = arith.constant 5.000000e-01 : f32
      %add3A_290 = vector.broadcast %add3A_289 : f32 to vector<16xf32>
      %add3A_291 = arith.addf %sub3A_288, %add3A_290 : vector<16xf32>
      %mul3A_292 = arith.constant 0.0027397261 : f32
      %mul3A_293 = vector.broadcast %mul3A_292 : f32 to vector<16xf32>
      %mul3A_294 = arith.mulf %add3A_291, %mul3A_293 : vector<16xf32>
      %convert_element_type3A_295 = arith.fptosi %mul3A_294 : vector<16xf32> to vector<16xi32>
      %convert_element_type3A_296 = arith.sitofp %convert_element_type3A_295 : vector<16xi32> to vector<16xf32>
      %mul3A_297 = arith.constant 3.650000e+02 : f32
      %mul3A_298 = vector.broadcast %mul3A_297 : f32 to vector<16xf32>
      %mul3A_299 = arith.mulf %mul3A_298, %convert_element_type3A_296 : vector<16xf32>
      %add3A_300 = arith.constant 5.000000e-01 : f32
      %add3A_301 = vector.broadcast %add3A_300 : f32 to vector<16xf32>
      %add3A_302 = arith.addf %convert_element_type3A_296, %add3A_301 : vector<16xf32>
      %mul3A_303 = arith.constant 2.500000e-01 : f32
      %mul3A_304 = vector.broadcast %mul3A_303 : f32 to vector<16xf32>
      %mul3A_305 = arith.mulf %add3A_302, %mul3A_304 : vector<16xf32>
      %convert_element_type3A_306 = arith.fptosi %mul3A_305 : vector<16xf32> to vector<16xi32>
      %convert_element_type3A_307 = arith.sitofp %convert_element_type3A_306 : vector<16xi32> to vector<16xf32>
      %add3A_308 = arith.addf %mul3A_299, %convert_element_type3A_307 : vector<16xf32>
      %add3A_309 = arith.constant 5.000000e-01 : f32
      %add3A_310 = vector.broadcast %add3A_309 : f32 to vector<16xf32>
      %add3A_311 = arith.addf %convert_element_type3A_296, %add3A_310 : vector<16xf32>
      %mul3A_312 = arith.constant 0.00999999977 : f32
      %mul3A_313 = vector.broadcast %mul3A_312 : f32 to vector<16xf32>
      %mul3A_314 = arith.mulf %add3A_311, %mul3A_313 : vector<16xf32>
      %convert_element_type3A_315 = arith.fptosi %mul3A_314 : vector<16xf32> to vector<16xi32>
      %convert_element_type3A_316 = arith.sitofp %convert_element_type3A_315 : vector<16xi32> to vector<16xf32>
      %sub3A_317 = arith.subf %add3A_308, %convert_element_type3A_316 : vector<16xf32>
      %sub3A_318 = arith.subf %sub3A_261, %sub3A_317 : vector<16xf32>
      %mul3A_319 = arith.constant 5.000000e+00 : f32
      %mul3A_320 = vector.broadcast %mul3A_319 : f32 to vector<16xf32>
      %mul3A_321 = arith.mulf %mul3A_320, %sub3A_318 : vector<16xf32>
      %add3A_322 = arith.constant 2.000000e+00 : f32
      %add3A_323 = vector.broadcast %add3A_322 : f32 to vector<16xf32>
      %add3A_324 = arith.addf %mul3A_321, %add3A_323 : vector<16xf32>
      %add3A_325 = arith.constant 5.000000e-01 : f32
      %add3A_326 = vector.broadcast %add3A_325 : f32 to vector<16xf32>
      %add3A_327 = arith.addf %add3A_324, %add3A_326 : vector<16xf32>
      %mul3A_328 = arith.constant 0.00653594779 : f32
      %mul3A_329 = vector.broadcast %mul3A_328 : f32 to vector<16xf32>
      %mul3A_330 = arith.mulf %add3A_327, %mul3A_329 : vector<16xf32>
      %convert_element_type3A_331 = arith.fptosi %mul3A_330 : vector<16xf32> to vector<16xi32>
      %convert_element_type3A_332 = arith.fptosi %sub3A_318 : vector<16xf32> to vector<16xi32>
      %convert_element_type3A_333 = arith.sitofp %convert_element_type3A_331 : vector<16xi32> to vector<16xf32>
      %mul3A_334 = arith.constant 1.530000e+02 : f32
      %mul3A_335 = vector.broadcast %mul3A_334 : f32 to vector<16xf32>
      %mul3A_336 = arith.mulf %mul3A_335, %convert_element_type3A_333 : vector<16xf32>
      %add3A_337 = arith.constant 2.000000e+00 : f32
      %add3A_338 = vector.broadcast %add3A_337 : f32 to vector<16xf32>
      %add3A_339 = arith.addf %mul3A_336, %add3A_338 : vector<16xf32>
      %add3A_340 = arith.constant 5.000000e-01 : f32
      %add3A_341 = vector.broadcast %add3A_340 : f32 to vector<16xf32>
      %add3A_342 = arith.addf %add3A_339, %add3A_341 : vector<16xf32>
      %mul3A_343 = arith.constant 2.000000e-01 : f32
      %mul3A_344 = vector.broadcast %mul3A_343 : f32 to vector<16xf32>
      %mul3A_345 = arith.mulf %add3A_342, %mul3A_344 : vector<16xf32>
      %convert_element_type3A_346 = arith.fptosi %mul3A_345 : vector<16xf32> to vector<16xi32>
      %sub3A_347 = arith.subi %convert_element_type3A_332, %convert_element_type3A_346 : vector<16xi32>
      %lt3A_348 = arith.constant 10 : i32
      %lt3A_349 = vector.broadcast %lt3A_348 : i32 to vector<16xi32>
      %lt3A_350 = arith.cmpi slt, %convert_element_type3A_331, %lt3A_349 : vector<16xi32>
      %jit3A = arith.constant 2 : i32
      %jit3A_351 = arith.constant -10 : i32
      %broadcast_in_dim3A = vector.broadcast %jit3A : i32 to vector<16xi32>
      %broadcast_in_dim3A_352 = vector.broadcast %jit3A_351 : i32 to vector<16xi32>
      %select_n3A_353 = arith.select %lt3A_350, %broadcast_in_dim3A, %broadcast_in_dim3A_352 : vector<16xi1>, vector<16xi32>
      %add3A_354 = arith.addi %convert_element_type3A_331, %select_n3A_353 : vector<16xi32>
      %mul3A_355 = arith.constant 372 : i32
      %mul3A_356 = vector.broadcast %mul3A_355 : i32 to vector<16xi32>
      %mul3A_357 = arith.muli %sub3A_246, %mul3A_356 : vector<16xi32>
      %mul3A_358 = arith.constant 31 : i32
      %mul3A_359 = vector.broadcast %mul3A_358 : i32 to vector<16xi32>
      %mul3A_360 = arith.muli %add3A_354, %mul3A_359 : vector<16xi32>
      %add3A_361 = arith.addi %mul3A_357, %mul3A_360 : vector<16xi32>
      %add3A_362 = arith.addi %add3A_361, %sub3A_347 : vector<16xi32>
      %mul3A_363 = arith.constant 16 : i32
      %mul3A_364 = arith.muli %scan3A_204, %mul3A_363 : i32
      %swap3A = arith.constant 0 : i32
      %swap3A_365 = arith.index_cast %swap3A : i32 to index
      %swap3A_366 = arith.index_cast %mul3A_364 : i32 to index
      %swap3A_367 = tpu.vector_load %arg6[%swap3A_365, %swap3A_366] {strides = array<i32>} : memref<4x128xi32, #tpu.memory_space<vmem>>, vector<1x16xi32>,
      %swap3A_368 = vector.shape_cast %swap3A_367 : vector<1x16xi32> to vector<16xi32>
      %swap3A_369 = vector.shape_cast %add3A_362 : vector<16xi32> to vector<1x16xi32>
      tpu.vector_store %arg6[%swap3A_365, %swap3A_366], %swap3A_369 {strides = array<i32>} : memref<4x128xi32, #tpu.memory_space<vmem>>, vector<1x16xi32>,
    }
    %scan3A_14 = arith.constant 8 : i32
    %scan3A_15 = arith.constant 0 : i32
    %scan3A_16 = arith.constant 0 : i32
    %scan3A_17 = arith.constant 8 : i32
    %scan3A_18 = arith.addi %scan3A_16, %scan3A_17 : i32
    %scan3A_19 = arith.constant 1 : i32
    scf.for %scan3A_204 = %scan3A_16 to %scan3A_18 step %scan3A_19  : i32 {
      %mul3A_205 = arith.constant 16 : i32
      %mul3A_206 = arith.muli %scan3A_204, %mul3A_205 : i32
      %add3A_207 = arith.constant 128 : i32
      %add3A_208 = arith.addi %add3A_207, %mul3A_206 : i32
      %get3A = arith.index_cast %add3A_208 : i32 to index
      %get3A_209 = tpu.vector_load %arg5[%get3A] {strides = array<i32>} : memref<512xi32, #tpu.memory_space<vmem>>, vector<16xi32>,
      %get3A_210 = vector.shape_cast %get3A_209 : vector<16xi32> to vector<16xi32>
      %convert_element_type3A = arith.sitofp %get3A_210 : vector<16xi32> to vector<16xf32>
      %mul3A_211 = arith.constant 1.15740741E-5 : f32
      %mul3A_212 = vector.broadcast %mul3A_211 : f32 to vector<16xf32>
      %mul3A_213 = arith.mulf %convert_element_type3A, %mul3A_212 : vector<16xf32>
      %convert_element_type3A_214 = arith.fptosi %mul3A_213 : vector<16xf32> to vector<16xi32>
      %mul3A_215 = arith.constant 86400 : i32
      %mul3A_216 = vector.broadcast %mul3A_215 : i32 to vector<16xi32>
      %mul3A_217 = arith.muli %convert_element_type3A_214, %mul3A_216 : vector<16xi32>
      %sub3A = arith.subi %get3A_210, %mul3A_217 : vector<16xi32>
      %ge3A = arith.constant 86400 : i32
      %ge3A_218 = vector.broadcast %ge3A : i32 to vector<16xi32>
      %ge3A_219 = arith.cmpi sge, %sub3A, %ge3A_218 : vector<16xi32>
      %add3A_220 = arith.constant 1 : i32
      %add3A_221 = vector.broadcast %add3A_220 : i32 to vector<16xi32>
      %add3A_222 = arith.addi %convert_element_type3A_214, %add3A_221 : vector<16xi32>
      %select_n3A = arith.select %ge3A_219, %add3A_222, %convert_element_type3A_214 : vector<16xi1>, vector<16xi32>
      %lt3A = arith.constant 0 : i32
      %lt3A_223 = vector.broadcast %lt3A : i32 to vector<16xi32>
      %lt3A_224 = arith.cmpi slt, %sub3A, %lt3A_223 : vector<16xi32>
      %sub3A_225 = arith.constant 1 : i32
      %sub3A_226 = vector.broadcast %sub3A_225 : i32 to vector<16xi32>
      %sub3A_227 = arith.subi %select_n3A, %sub3A_226 : vector<16xi32>
      %select_n3A_228 = arith.select %lt3A_224, %sub3A_227, %select_n3A : vector<16xi1>, vector<16xi32>
      %convert_element_type3A_229 = arith.sitofp %select_n3A_228 : vector<16xi32> to vector<16xf32>
      %add3A_230 = arith.constant 3 : i32
      %add3A_231 = vector.broadcast %add3A_230 : i32 to vector<16xi32>
      %add3A_232 = arith.addi %select_n3A_228, %add3A_231 : vector<16xi32>
      %add3A_233 = arith.constant 3.000000e+00 : f32
      %add3A_234 = vector.broadcast %add3A_233 : f32 to vector<16xf32>
      %add3A_235 = arith.addf %convert_element_type3A_229, %add3A_234 : vector<16xf32>
      %add3A_236 = arith.constant 5.000000e-01 : f32
      %add3A_237 = vector.broadcast %add3A_236 : f32 to vector<16xf32>
      %add3A_238 = arith.addf %add3A_235, %add3A_237 : vector<16xf32>
      %mul3A_239 = arith.constant 0.142857149 : f32
      %mul3A_240 = vector.broadcast %mul3A_239 : f32 to vector<16xf32>
      %mul3A_241 = arith.mulf %add3A_238, %mul3A_240 : vector<16xf32>
      %convert_element_type3A_242 = arith.fptosi %mul3A_241 : vector<16xf32> to vector<16xi32>
      %mul3A_243 = arith.constant 7 : i32
      %mul3A_244 = vector.broadcast %mul3A_243 : i32 to vector<16xi32>
      %mul3A_245 = arith.muli %mul3A_244, %convert_element_type3A_242 : vector<16xi32>
      %sub3A_246 = arith.subi %add3A_232, %mul3A_245 : vector<16xi32>
      %add3A_247 = arith.constant 7.194680e+05 : f32
      %add3A_248 = vector.broadcast %add3A_247 : f32 to vector<16xf32>
      %add3A_249 = arith.addf %convert_element_type3A_229, %add3A_248 : vector<16xf32>
      %add3A_250 = arith.constant 5.000000e-01 : f32
      %add3A_251 = vector.broadcast %add3A_250 : f32 to vector<16xf32>
      %add3A_252 = arith.addf %add3A_249, %add3A_251 : vector<16xf32>
      %mul3A_253 = arith.constant 6.84476754E-6 : f32
      %mul3A_254 = vector.broadcast %mul3A_253 : f32 to vector<16xf32>
      %mul3A_255 = arith.mulf %add3A_252, %mul3A_254 : vector<16xf32>
      %convert_element_type3A_256 = arith.fptosi %mul3A_255 : vector<16xf32> to vector<16xi32>
      %convert_element_type3A_257 = arith.sitofp %convert_element_type3A_256 : vector<16xi32> to vector<16xf32>
      %mul3A_258 = arith.constant 1.460970e+05 : f32
      %mul3A_259 = vector.broadcast %mul3A_258 : f32 to vector<16xf32>
      %mul3A_260 = arith.mulf %convert_element_type3A_257, %mul3A_259 : vector<16xf32>
      %sub3A_261 = arith.subf %add3A_249, %mul3A_260 : vector<16xf32>
      %add3A_262 = arith.constant 5.000000e-01 : f32
      %add3A_263 = vector.broadcast %add3A_262 : f32 to vector<16xf32>
      %add3A_264 = arith.addf %sub3A_261, %add3A_263 : vector<16xf32>
      %mul3A_265 = arith.constant 6.84931525E-4 : f32
      %mul3A_266 = vector.broadcast %mul3A_265 : f32 to vector<16xf32>
      %mul3A_267 = arith.mulf %add3A_264, %mul3A_266 : vector<16xf32>
      %convert_element_type3A_268 = arith.fptosi %mul3A_267 : vector<16xf32> to vector<16xi32>
      %convert_element_type3A_269 = arith.sitofp %convert_element_type3A_268 : vector<16xi32> to vector<16xf32>
      %sub3A_270 = arith.subf %sub3A_261, %convert_element_type3A_269 : vector<16xf32>
      %add3A_271 = arith.constant 5.000000e-01 : f32
      %add3A_272 = vector.broadcast %add3A_271 : f32 to vector<16xf32>
      %add3A_273 = arith.addf %sub3A_261, %add3A_272 : vector<16xf32>
      %mul3A_274 = arith.constant 2.73792575E-5 : f32
      %mul3A_275 = vector.broadcast %mul3A_274 : f32 to vector<16xf32>
      %mul3A_276 = arith.mulf %add3A_273, %mul3A_275 : vector<16xf32>
      %convert_element_type3A_277 = arith.fptosi %mul3A_276 : vector<16xf32> to vector<16xi32>
      %convert_element_type3A_278 = arith.sitofp %convert_element_type3A_277 : vector<16xi32> to vector<16xf32>
      %add3A_279 = arith.addf %sub3A_270, %convert_element_type3A_278 : vector<16xf32>
      %add3A_280 = arith.constant 5.000000e-01 : f32
      %add3A_281 = vector.broadcast %add3A_280 : f32 to vector<16xf32>
      %add3A_282 = arith.addf %sub3A_261, %add3A_281 : vector<16xf32>
      %mul3A_283 = arith.constant 6.84481438E-6 : f32
      %mul3A_284 = vector.broadcast %mul3A_283 : f32 to vector<16xf32>
      %mul3A_285 = arith.mulf %add3A_282, %mul3A_284 : vector<16xf32>
      %convert_element_type3A_286 = arith.fptosi %mul3A_285 : vector<16xf32> to vector<16xi32>
      %convert_element_type3A_287 = arith.sitofp %convert_element_type3A_286 : vector<16xi32> to vector<16xf32>
      %sub3A_288 = arith.subf %add3A_279, %convert_element_type3A_287 : vector<16xf32>
      %add3A_289 = arith.constant 5.000000e-01 : f32
      %add3A_290 = vector.broadcast %add3A_289 : f32 to vector<16xf32>
      %add3A_291 = arith.addf %sub3A_288, %add3A_290 : vector<16xf32>
      %mul3A_292 = arith.constant 0.0027397261 : f32
      %mul3A_293 = vector.broadcast %mul3A_292 : f32 to vector<16xf32>
      %mul3A_294 = arith.mulf %add3A_291, %mul3A_293 : vector<16xf32>
      %convert_element_type3A_295 = arith.fptosi %mul3A_294 : vector<16xf32> to vector<16xi32>
      %convert_element_type3A_296 = arith.sitofp %convert_element_type3A_295 : vector<16xi32> to vector<16xf32>
      %mul3A_297 = arith.constant 3.650000e+02 : f32
      %mul3A_298 = vector.broadcast %mul3A_297 : f32 to vector<16xf32>
      %mul3A_299 = arith.mulf %mul3A_298, %convert_element_type3A_296 : vector<16xf32>
      %add3A_300 = arith.constant 5.000000e-01 : f32
      %add3A_301 = vector.broadcast %add3A_300 : f32 to vector<16xf32>
      %add3A_302 = arith.addf %convert_element_type3A_296, %add3A_301 : vector<16xf32>
      %mul3A_303 = arith.constant 2.500000e-01 : f32
      %mul3A_304 = vector.broadcast %mul3A_303 : f32 to vector<16xf32>
      %mul3A_305 = arith.mulf %add3A_302, %mul3A_304 : vector<16xf32>
      %convert_element_type3A_306 = arith.fptosi %mul3A_305 : vector<16xf32> to vector<16xi32>
      %convert_element_type3A_307 = arith.sitofp %convert_element_type3A_306 : vector<16xi32> to vector<16xf32>
      %add3A_308 = arith.addf %mul3A_299, %convert_element_type3A_307 : vector<16xf32>
      %add3A_309 = arith.constant 5.000000e-01 : f32
      %add3A_310 = vector.broadcast %add3A_309 : f32 to vector<16xf32>
      %add3A_311 = arith.addf %convert_element_type3A_296, %add3A_310 : vector<16xf32>
      %mul3A_312 = arith.constant 0.00999999977 : f32
      %mul3A_313 = vector.broadcast %mul3A_312 : f32 to vector<16xf32>
      %mul3A_314 = arith.mulf %add3A_311, %mul3A_313 : vector<16xf32>
      %convert_element_type3A_315 = arith.fptosi %mul3A_314 : vector<16xf32> to vector<16xi32>
      %convert_element_type3A_316 = arith.sitofp %convert_element_type3A_315 : vector<16xi32> to vector<16xf32>
      %sub3A_317 = arith.subf %add3A_308, %convert_element_type3A_316 : vector<16xf32>
      %sub3A_318 = arith.subf %sub3A_261, %sub3A_317 : vector<16xf32>
      %mul3A_319 = arith.constant 5.000000e+00 : f32
      %mul3A_320 = vector.broadcast %mul3A_319 : f32 to vector<16xf32>
      %mul3A_321 = arith.mulf %mul3A_320, %sub3A_318 : vector<16xf32>
      %add3A_322 = arith.constant 2.000000e+00 : f32
      %add3A_323 = vector.broadcast %add3A_322 : f32 to vector<16xf32>
      %add3A_324 = arith.addf %mul3A_321, %add3A_323 : vector<16xf32>
      %add3A_325 = arith.constant 5.000000e-01 : f32
      %add3A_326 = vector.broadcast %add3A_325 : f32 to vector<16xf32>
      %add3A_327 = arith.addf %add3A_324, %add3A_326 : vector<16xf32>
      %mul3A_328 = arith.constant 0.00653594779 : f32
      %mul3A_329 = vector.broadcast %mul3A_328 : f32 to vector<16xf32>
      %mul3A_330 = arith.mulf %add3A_327, %mul3A_329 : vector<16xf32>
      %convert_element_type3A_331 = arith.fptosi %mul3A_330 : vector<16xf32> to vector<16xi32>
      %convert_element_type3A_332 = arith.fptosi %sub3A_318 : vector<16xf32> to vector<16xi32>
      %convert_element_type3A_333 = arith.sitofp %convert_element_type3A_331 : vector<16xi32> to vector<16xf32>
      %mul3A_334 = arith.constant 1.530000e+02 : f32
      %mul3A_335 = vector.broadcast %mul3A_334 : f32 to vector<16xf32>
      %mul3A_336 = arith.mulf %mul3A_335, %convert_element_type3A_333 : vector<16xf32>
      %add3A_337 = arith.constant 2.000000e+00 : f32
      %add3A_338 = vector.broadcast %add3A_337 : f32 to vector<16xf32>
      %add3A_339 = arith.addf %mul3A_336, %add3A_338 : vector<16xf32>
      %add3A_340 = arith.constant 5.000000e-01 : f32
      %add3A_341 = vector.broadcast %add3A_340 : f32 to vector<16xf32>
      %add3A_342 = arith.addf %add3A_339, %add3A_341 : vector<16xf32>
      %mul3A_343 = arith.constant 2.000000e-01 : f32
      %mul3A_344 = vector.broadcast %mul3A_343 : f32 to vector<16xf32>
      %mul3A_345 = arith.mulf %add3A_342, %mul3A_344 : vector<16xf32>
      %convert_element_type3A_346 = arith.fptosi %mul3A_345 : vector<16xf32> to vector<16xi32>
      %sub3A_347 = arith.subi %convert_element_type3A_332, %convert_element_type3A_346 : vector<16xi32>
      %lt3A_348 = arith.constant 10 : i32
      %lt3A_349 = vector.broadcast %lt3A_348 : i32 to vector<16xi32>
      %lt3A_350 = arith.cmpi slt, %convert_element_type3A_331, %lt3A_349 : vector<16xi32>
      %jit3A = arith.constant 2 : i32
      %jit3A_351 = arith.constant -10 : i32
      %broadcast_in_dim3A = vector.broadcast %jit3A : i32 to vector<16xi32>
      %broadcast_in_dim3A_352 = vector.broadcast %jit3A_351 : i32 to vector<16xi32>
      %select_n3A_353 = arith.select %lt3A_350, %broadcast_in_dim3A, %broadcast_in_dim3A_352 : vector<16xi1>, vector<16xi32>
      %add3A_354 = arith.addi %convert_element_type3A_331, %select_n3A_353 : vector<16xi32>
      %mul3A_355 = arith.constant 372 : i32
      %mul3A_356 = vector.broadcast %mul3A_355 : i32 to vector<16xi32>
      %mul3A_357 = arith.muli %sub3A_246, %mul3A_356 : vector<16xi32>
      %mul3A_358 = arith.constant 31 : i32
      %mul3A_359 = vector.broadcast %mul3A_358 : i32 to vector<16xi32>
      %mul3A_360 = arith.muli %add3A_354, %mul3A_359 : vector<16xi32>
      %add3A_361 = arith.addi %mul3A_357, %mul3A_360 : vector<16xi32>
      %add3A_362 = arith.addi %add3A_361, %sub3A_347 : vector<16xi32>
      %mul3A_363 = arith.constant 16 : i32
      %mul3A_364 = arith.muli %scan3A_204, %mul3A_363 : i32
      %swap3A = arith.constant 1 : i32
      %swap3A_365 = arith.index_cast %swap3A : i32 to index
      %swap3A_366 = arith.index_cast %mul3A_364 : i32 to index
      %swap3A_367 = tpu.vector_load %arg6[%swap3A_365, %swap3A_366] {strides = array<i32>} : memref<4x128xi32, #tpu.memory_space<vmem>>, vector<1x16xi32>,
      %swap3A_368 = vector.shape_cast %swap3A_367 : vector<1x16xi32> to vector<16xi32>
      %swap3A_369 = vector.shape_cast %add3A_362 : vector<16xi32> to vector<1x16xi32>
      tpu.vector_store %arg6[%swap3A_365, %swap3A_366], %swap3A_369 {strides = array<i32>} : memref<4x128xi32, #tpu.memory_space<vmem>>, vector<1x16xi32>,
    }
    %scan3A_20 = arith.constant 8 : i32
    %scan3A_21 = arith.constant 0 : i32
    %scan3A_22 = arith.constant 0 : i32
    %scan3A_23 = arith.constant 8 : i32
    %scan3A_24 = arith.addi %scan3A_22, %scan3A_23 : i32
    %scan3A_25 = arith.constant 1 : i32
    scf.for %scan3A_204 = %scan3A_22 to %scan3A_24 step %scan3A_25  : i32 {
      %mul3A_205 = arith.constant 16 : i32
      %mul3A_206 = arith.muli %scan3A_204, %mul3A_205 : i32
      %add3A_207 = arith.constant 256 : i32
      %add3A_208 = arith.addi %add3A_207, %mul3A_206 : i32
      %get3A = arith.index_cast %add3A_208 : i32 to index
      %get3A_209 = tpu.vector_load %arg5[%get3A] {strides = array<i32>} : memref<512xi32, #tpu.memory_space<vmem>>, vector<16xi32>,
      %get3A_210 = vector.shape_cast %get3A_209 : vector<16xi32> to vector<16xi32>
      %convert_element_type3A = arith.sitofp %get3A_210 : vector<16xi32> to vector<16xf32>
      %mul3A_211 = arith.constant 1.15740741E-5 : f32
      %mul3A_212 = vector.broadcast %mul3A_211 : f32 to vector<16xf32>
      %mul3A_213 = arith.mulf %convert_element_type3A, %mul3A_212 : vector<16xf32>
      %convert_element_type3A_214 = arith.fptosi %mul3A_213 : vector<16xf32> to vector<16xi32>
      %mul3A_215 = arith.constant 86400 : i32
      %mul3A_216 = vector.broadcast %mul3A_215 : i32 to vector<16xi32>
      %mul3A_217 = arith.muli %convert_element_type3A_214, %mul3A_216 : vector<16xi32>
      %sub3A = arith.subi %get3A_210, %mul3A_217 : vector<16xi32>
      %ge3A = arith.constant 86400 : i32
      %ge3A_218 = vector.broadcast %ge3A : i32 to vector<16xi32>
      %ge3A_219 = arith.cmpi sge, %sub3A, %ge3A_218 : vector<16xi32>
      %add3A_220 = arith.constant 1 : i32
      %add3A_221 = vector.broadcast %add3A_220 : i32 to vector<16xi32>
      %add3A_222 = arith.addi %convert_element_type3A_214, %add3A_221 : vector<16xi32>
      %select_n3A = arith.select %ge3A_219, %add3A_222, %convert_element_type3A_214 : vector<16xi1>, vector<16xi32>
      %lt3A = arith.constant 0 : i32
      %lt3A_223 = vector.broadcast %lt3A : i32 to vector<16xi32>
      %lt3A_224 = arith.cmpi slt, %sub3A, %lt3A_223 : vector<16xi32>
      %sub3A_225 = arith.constant 1 : i32
      %sub3A_226 = vector.broadcast %sub3A_225 : i32 to vector<16xi32>
      %sub3A_227 = arith.subi %select_n3A, %sub3A_226 : vector<16xi32>
      %select_n3A_228 = arith.select %lt3A_224, %sub3A_227, %select_n3A : vector<16xi1>, vector<16xi32>
      %convert_element_type3A_229 = arith.sitofp %select_n3A_228 : vector<16xi32> to vector<16xf32>
      %add3A_230 = arith.constant 3 : i32
      %add3A_231 = vector.broadcast %add3A_230 : i32 to vector<16xi32>
      %add3A_232 = arith.addi %select_n3A_228, %add3A_231 : vector<16xi32>
      %add3A_233 = arith.constant 3.000000e+00 : f32
      %add3A_234 = vector.broadcast %add3A_233 : f32 to vector<16xf32>
      %add3A_235 = arith.addf %convert_element_type3A_229, %add3A_234 : vector<16xf32>
      %add3A_236 = arith.constant 5.000000e-01 : f32
      %add3A_237 = vector.broadcast %add3A_236 : f32 to vector<16xf32>
      %add3A_238 = arith.addf %add3A_235, %add3A_237 : vector<16xf32>
      %mul3A_239 = arith.constant 0.142857149 : f32
      %mul3A_240 = vector.broadcast %mul3A_239 : f32 to vector<16xf32>
      %mul3A_241 = arith.mulf %add3A_238, %mul3A_240 : vector<16xf32>
      %convert_element_type3A_242 = arith.fptosi %mul3A_241 : vector<16xf32> to vector<16xi32>
      %mul3A_243 = arith.constant 7 : i32
      %mul3A_244 = vector.broadcast %mul3A_243 : i32 to vector<16xi32>
      %mul3A_245 = arith.muli %mul3A_244, %convert_element_type3A_242 : vector<16xi32>
      %sub3A_246 = arith.subi %add3A_232, %mul3A_245 : vector<16xi32>
      %add3A_247 = arith.constant 7.194680e+05 : f32
      %add3A_248 = vector.broadcast %add3A_247 : f32 to vector<16xf32>
      %add3A_249 = arith.addf %convert_element_type3A_229, %add3A_248 : vector<16xf32>
      %add3A_250 = arith.constant 5.000000e-01 : f32
      %add3A_251 = vector.broadcast %add3A_250 : f32 to vector<16xf32>
      %add3A_252 = arith.addf %add3A_249, %add3A_251 : vector<16xf32>
      %mul3A_253 = arith.constant 6.84476754E-6 : f32
      %mul3A_254 = vector.broadcast %mul3A_253 : f32 to vector<16xf32>
      %mul3A_255 = arith.mulf %add3A_252, %mul3A_254 : vector<16xf32>
      %convert_element_type3A_256 = arith.fptosi %mul3A_255 : vector<16xf32> to vector<16xi32>
      %convert_element_type3A_257 = arith.sitofp %convert_element_type3A_256 : vector<16xi32> to vector<16xf32>
      %mul3A_258 = arith.constant 1.460970e+05 : f32
      %mul3A_259 = vector.broadcast %mul3A_258 : f32 to vector<16xf32>
      %mul3A_260 = arith.mulf %convert_element_type3A_257, %mul3A_259 : vector<16xf32>
      %sub3A_261 = arith.subf %add3A_249, %mul3A_260 : vector<16xf32>
      %add3A_262 = arith.constant 5.000000e-01 : f32
      %add3A_263 = vector.broadcast %add3A_262 : f32 to vector<16xf32>
      %add3A_264 = arith.addf %sub3A_261, %add3A_263 : vector<16xf32>
      %mul3A_265 = arith.constant 6.84931525E-4 : f32
      %mul3A_266 = vector.broadcast %mul3A_265 : f32 to vector<16xf32>
      %mul3A_267 = arith.mulf %add3A_264, %mul3A_266 : vector<16xf32>
      %convert_element_type3A_268 = arith.fptosi %mul3A_267 : vector<16xf32> to vector<16xi32>
      %convert_element_type3A_269 = arith.sitofp %convert_element_type3A_268 : vector<16xi32> to vector<16xf32>
      %sub3A_270 = arith.subf %sub3A_261, %convert_element_type3A_269 : vector<16xf32>
      %add3A_271 = arith.constant 5.000000e-01 : f32
      %add3A_272 = vector.broadcast %add3A_271 : f32 to vector<16xf32>
      %add3A_273 = arith.addf %sub3A_261, %add3A_272 : vector<16xf32>
      %mul3A_274 = arith.constant 2.73792575E-5 : f32
      %mul3A_275 = vector.broadcast %mul3A_274 : f32 to vector<16xf32>
      %mul3A_276 = arith.mulf %add3A_273, %mul3A_275 : vector<16xf32>
      %convert_element_type3A_277 = arith.fptosi %mul3A_276 : vector<16xf32> to vector<16xi32>
      %convert_element_type3A_278 = arith.sitofp %convert_element_type3A_277 : vector<16xi32> to vector<16xf32>
      %add3A_279 = arith.addf %sub3A_270, %convert_element_type3A_278 : vector<16xf32>
      %add3A_280 = arith.constant 5.000000e-01 : f32
      %add3A_281 = vector.broadcast %add3A_280 : f32 to vector<16xf32>
      %add3A_282 = arith.addf %sub3A_261, %add3A_281 : vector<16xf32>
      %mul3A_283 = arith.constant 6.84481438E-6 : f32
      %mul3A_284 = vector.broadcast %mul3A_283 : f32 to vector<16xf32>
      %mul3A_285 = arith.mulf %add3A_282, %mul3A_284 : vector<16xf32>
      %convert_element_type3A_286 = arith.fptosi %mul3A_285 : vector<16xf32> to vector<16xi32>
      %convert_element_type3A_287 = arith.sitofp %convert_element_type3A_286 : vector<16xi32> to vector<16xf32>
      %sub3A_288 = arith.subf %add3A_279, %convert_element_type3A_287 : vector<16xf32>
      %add3A_289 = arith.constant 5.000000e-01 : f32
      %add3A_290 = vector.broadcast %add3A_289 : f32 to vector<16xf32>
      %add3A_291 = arith.addf %sub3A_288, %add3A_290 : vector<16xf32>
      %mul3A_292 = arith.constant 0.0027397261 : f32
      %mul3A_293 = vector.broadcast %mul3A_292 : f32 to vector<16xf32>
      %mul3A_294 = arith.mulf %add3A_291, %mul3A_293 : vector<16xf32>
      %convert_element_type3A_295 = arith.fptosi %mul3A_294 : vector<16xf32> to vector<16xi32>
      %convert_element_type3A_296 = arith.sitofp %convert_element_type3A_295 : vector<16xi32> to vector<16xf32>
      %mul3A_297 = arith.constant 3.650000e+02 : f32
      %mul3A_298 = vector.broadcast %mul3A_297 : f32 to vector<16xf32>
      %mul3A_299 = arith.mulf %mul3A_298, %convert_element_type3A_296 : vector<16xf32>
      %add3A_300 = arith.constant 5.000000e-01 : f32
      %add3A_301 = vector.broadcast %add3A_300 : f32 to vector<16xf32>
      %add3A_302 = arith.addf %convert_element_type3A_296, %add3A_301 : vector<16xf32>
      %mul3A_303 = arith.constant 2.500000e-01 : f32
      %mul3A_304 = vector.broadcast %mul3A_303 : f32 to vector<16xf32>
      %mul3A_305 = arith.mulf %add3A_302, %mul3A_304 : vector<16xf32>
      %convert_element_type3A_306 = arith.fptosi %mul3A_305 : vector<16xf32> to vector<16xi32>
      %convert_element_type3A_307 = arith.sitofp %convert_element_type3A_306 : vector<16xi32> to vector<16xf32>
      %add3A_308 = arith.addf %mul3A_299, %convert_element_type3A_307 : vector<16xf32>
      %add3A_309 = arith.constant 5.000000e-01 : f32
      %add3A_310 = vector.broadcast %add3A_309 : f32 to vector<16xf32>
      %add3A_311 = arith.addf %convert_element_type3A_296, %add3A_310 : vector<16xf32>
      %mul3A_312 = arith.constant 0.00999999977 : f32
      %mul3A_313 = vector.broadcast %mul3A_312 : f32 to vector<16xf32>
      %mul3A_314 = arith.mulf %add3A_311, %mul3A_313 : vector<16xf32>
      %convert_element_type3A_315 = arith.fptosi %mul3A_314 : vector<16xf32> to vector<16xi32>
      %convert_element_type3A_316 = arith.sitofp %convert_element_type3A_315 : vector<16xi32> to vector<16xf32>
      %sub3A_317 = arith.subf %add3A_308, %convert_element_type3A_316 : vector<16xf32>
      %sub3A_318 = arith.subf %sub3A_261, %sub3A_317 : vector<16xf32>
      %mul3A_319 = arith.constant 5.000000e+00 : f32
      %mul3A_320 = vector.broadcast %mul3A_319 : f32 to vector<16xf32>
      %mul3A_321 = arith.mulf %mul3A_320, %sub3A_318 : vector<16xf32>
      %add3A_322 = arith.constant 2.000000e+00 : f32
      %add3A_323 = vector.broadcast %add3A_322 : f32 to vector<16xf32>
      %add3A_324 = arith.addf %mul3A_321, %add3A_323 : vector<16xf32>
      %add3A_325 = arith.constant 5.000000e-01 : f32
      %add3A_326 = vector.broadcast %add3A_325 : f32 to vector<16xf32>
      %add3A_327 = arith.addf %add3A_324, %add3A_326 : vector<16xf32>
      %mul3A_328 = arith.constant 0.00653594779 : f32
      %mul3A_329 = vector.broadcast %mul3A_328 : f32 to vector<16xf32>
      %mul3A_330 = arith.mulf %add3A_327, %mul3A_329 : vector<16xf32>
      %convert_element_type3A_331 = arith.fptosi %mul3A_330 : vector<16xf32> to vector<16xi32>
      %convert_element_type3A_332 = arith.fptosi %sub3A_318 : vector<16xf32> to vector<16xi32>
      %convert_element_type3A_333 = arith.sitofp %convert_element_type3A_331 : vector<16xi32> to vector<16xf32>
      %mul3A_334 = arith.constant 1.530000e+02 : f32
      %mul3A_335 = vector.broadcast %mul3A_334 : f32 to vector<16xf32>
      %mul3A_336 = arith.mulf %mul3A_335, %convert_element_type3A_333 : vector<16xf32>
      %add3A_337 = arith.constant 2.000000e+00 : f32
      %add3A_338 = vector.broadcast %add3A_337 : f32 to vector<16xf32>
      %add3A_339 = arith.addf %mul3A_336, %add3A_338 : vector<16xf32>
      %add3A_340 = arith.constant 5.000000e-01 : f32
      %add3A_341 = vector.broadcast %add3A_340 : f32 to vector<16xf32>
      %add3A_342 = arith.addf %add3A_339, %add3A_341 : vector<16xf32>
      %mul3A_343 = arith.constant 2.000000e-01 : f32
      %mul3A_344 = vector.broadcast %mul3A_343 : f32 to vector<16xf32>
      %mul3A_345 = arith.mulf %add3A_342, %mul3A_344 : vector<16xf32>
      %convert_element_type3A_346 = arith.fptosi %mul3A_345 : vector<16xf32> to vector<16xi32>
      %sub3A_347 = arith.subi %convert_element_type3A_332, %convert_element_type3A_346 : vector<16xi32>
      %lt3A_348 = arith.constant 10 : i32
      %lt3A_349 = vector.broadcast %lt3A_348 : i32 to vector<16xi32>
      %lt3A_350 = arith.cmpi slt, %convert_element_type3A_331, %lt3A_349 : vector<16xi32>
      %jit3A = arith.constant 2 : i32
      %jit3A_351 = arith.constant -10 : i32
      %broadcast_in_dim3A = vector.broadcast %jit3A : i32 to vector<16xi32>
      %broadcast_in_dim3A_352 = vector.broadcast %jit3A_351 : i32 to vector<16xi32>
      %select_n3A_353 = arith.select %lt3A_350, %broadcast_in_dim3A, %broadcast_in_dim3A_352 : vector<16xi1>, vector<16xi32>
      %add3A_354 = arith.addi %convert_element_type3A_331, %select_n3A_353 : vector<16xi32>
      %mul3A_355 = arith.constant 372 : i32
      %mul3A_356 = vector.broadcast %mul3A_355 : i32 to vector<16xi32>
      %mul3A_357 = arith.muli %sub3A_246, %mul3A_356 : vector<16xi32>
      %mul3A_358 = arith.constant 31 : i32
      %mul3A_359 = vector.broadcast %mul3A_358 : i32 to vector<16xi32>
      %mul3A_360 = arith.muli %add3A_354, %mul3A_359 : vector<16xi32>
      %add3A_361 = arith.addi %mul3A_357, %mul3A_360 : vector<16xi32>
      %add3A_362 = arith.addi %add3A_361, %sub3A_347 : vector<16xi32>
      %mul3A_363 = arith.constant 16 : i32
      %mul3A_364 = arith.muli %scan3A_204, %mul3A_363 : i32
      %swap3A = arith.constant 2 : i32
      %swap3A_365 = arith.index_cast %swap3A : i32 to index
      %swap3A_366 = arith.index_cast %mul3A_364 : i32 to index
      %swap3A_367 = tpu.vector_load %arg6[%swap3A_365, %swap3A_366] {strides = array<i32>} : memref<4x128xi32, #tpu.memory_space<vmem>>, vector<1x16xi32>,
      %swap3A_368 = vector.shape_cast %swap3A_367 : vector<1x16xi32> to vector<16xi32>
      %swap3A_369 = vector.shape_cast %add3A_362 : vector<16xi32> to vector<1x16xi32>
      tpu.vector_store %arg6[%swap3A_365, %swap3A_366], %swap3A_369 {strides = array<i32>} : memref<4x128xi32, #tpu.memory_space<vmem>>, vector<1x16xi32>,
    }
    %scan3A_26 = arith.constant 8 : i32
    %scan3A_27 = arith.constant 0 : i32
    %scan3A_28 = arith.constant 0 : i32
    %scan3A_29 = arith.constant 8 : i32
    %scan3A_30 = arith.addi %scan3A_28, %scan3A_29 : i32
    %scan3A_31 = arith.constant 1 : i32
    scf.for %scan3A_204 = %scan3A_28 to %scan3A_30 step %scan3A_31  : i32 {
      %mul3A_205 = arith.constant 16 : i32
      %mul3A_206 = arith.muli %scan3A_204, %mul3A_205 : i32
      %add3A_207 = arith.constant 384 : i32
      %add3A_208 = arith.addi %add3A_207, %mul3A_206 : i32
      %get3A = arith.index_cast %add3A_208 : i32 to index
      %get3A_209 = tpu.vector_load %arg5[%get3A] {strides = array<i32>} : memref<512xi32, #tpu.memory_space<vmem>>, vector<16xi32>,
      %get3A_210 = vector.shape_cast %get3A_209 : vector<16xi32> to vector<16xi32>
      %convert_element_type3A = arith.sitofp %get3A_210 : vector<16xi32> to vector<16xf32>
      %mul3A_211 = arith.constant 1.15740741E-5 : f32
      %mul3A_212 = vector.broadcast %mul3A_211 : f32 to vector<16xf32>
      %mul3A_213 = arith.mulf %convert_element_type3A, %mul3A_212 : vector<16xf32>
      %convert_element_type3A_214 = arith.fptosi %mul3A_213 : vector<16xf32> to vector<16xi32>
      %mul3A_215 = arith.constant 86400 : i32
      %mul3A_216 = vector.broadcast %mul3A_215 : i32 to vector<16xi32>
      %mul3A_217 = arith.muli %convert_element_type3A_214, %mul3A_216 : vector<16xi32>
      %sub3A = arith.subi %get3A_210, %mul3A_217 : vector<16xi32>
      %ge3A = arith.constant 86400 : i32
      %ge3A_218 = vector.broadcast %ge3A : i32 to vector<16xi32>
      %ge3A_219 = arith.cmpi sge, %sub3A, %ge3A_218 : vector<16xi32>
      %add3A_220 = arith.constant 1 : i32
      %add3A_221 = vector.broadcast %add3A_220 : i32 to vector<16xi32>
      %add3A_222 = arith.addi %convert_element_type3A_214, %add3A_221 : vector<16xi32>
      %select_n3A = arith.select %ge3A_219, %add3A_222, %convert_element_type3A_214 : vector<16xi1>, vector<16xi32>
      %lt3A = arith.constant 0 : i32
      %lt3A_223 = vector.broadcast %lt3A : i32 to vector<16xi32>
      %lt3A_224 = arith.cmpi slt, %sub3A, %lt3A_223 : vector<16xi32>
      %sub3A_225 = arith.constant 1 : i32
      %sub3A_226 = vector.broadcast %sub3A_225 : i32 to vector<16xi32>
      %sub3A_227 = arith.subi %select_n3A, %sub3A_226 : vector<16xi32>
      %select_n3A_228 = arith.select %lt3A_224, %sub3A_227, %select_n3A : vector<16xi1>, vector<16xi32>
      %convert_element_type3A_229 = arith.sitofp %select_n3A_228 : vector<16xi32> to vector<16xf32>
      %add3A_230 = arith.constant 3 : i32
      %add3A_231 = vector.broadcast %add3A_230 : i32 to vector<16xi32>
      %add3A_232 = arith.addi %select_n3A_228, %add3A_231 : vector<16xi32>
      %add3A_233 = arith.constant 3.000000e+00 : f32
      %add3A_234 = vector.broadcast %add3A_233 : f32 to vector<16xf32>
      %add3A_235 = arith.addf %convert_element_type3A_229, %add3A_234 : vector<16xf32>
      %add3A_236 = arith.constant 5.000000e-01 : f32
      %add3A_237 = vector.broadcast %add3A_236 : f32 to vector<16xf32>
      %add3A_238 = arith.addf %add3A_235, %add3A_237 : vector<16xf32>
      %mul3A_239 = arith.constant 0.142857149 : f32
      %mul3A_240 = vector.broadcast %mul3A_239 : f32 to vector<16xf32>
      %mul3A_241 = arith.mulf %add3A_238, %mul3A_240 : vector<16xf32>
      %convert_element_type3A_242 = arith.fptosi %mul3A_241 : vector<16xf32> to vector<16xi32>
      %mul3A_243 = arith.constant 7 : i32
      %mul3A_244 = vector.broadcast %mul3A_243 : i32 to vector<16xi32>
      %mul3A_245 = arith.muli %mul3A_244, %convert_element_type3A_242 : vector<16xi32>
      %sub3A_246 = arith.subi %add3A_232, %mul3A_245 : vector<16xi32>
      %add3A_247 = arith.constant 7.194680e+05 : f32
      %add3A_248 = vector.broadcast %add3A_247 : f32 to vector<16xf32>
      %add3A_249 = arith.addf %convert_element_type3A_229, %add3A_248 : vector<16xf32>
      %add3A_250 = arith.constant 5.000000e-01 : f32
      %add3A_251 = vector.broadcast %add3A_250 : f32 to vector<16xf32>
      %add3A_252 = arith.addf %add3A_249, %add3A_251 : vector<16xf32>
      %mul3A_253 = arith.constant 6.84476754E-6 : f32
      %mul3A_254 = vector.broadcast %mul3A_253 : f32 to vector<16xf32>
      %mul3A_255 = arith.mulf %add3A_252, %mul3A_254 : vector<16xf32>
      %convert_element_type3A_256 = arith.fptosi %mul3A_255 : vector<16xf32> to vector<16xi32>
      %convert_element_type3A_257 = arith.sitofp %convert_element_type3A_256 : vector<16xi32> to vector<16xf32>
      %mul3A_258 = arith.constant 1.460970e+05 : f32
      %mul3A_259 = vector.broadcast %mul3A_258 : f32 to vector<16xf32>
      %mul3A_260 = arith.mulf %convert_element_type3A_257, %mul3A_259 : vector<16xf32>
      %sub3A_261 = arith.subf %add3A_249, %mul3A_260 : vector<16xf32>
      %add3A_262 = arith.constant 5.000000e-01 : f32
      %add3A_263 = vector.broadcast %add3A_262 : f32 to vector<16xf32>
      %add3A_264 = arith.addf %sub3A_261, %add3A_263 : vector<16xf32>
      %mul3A_265 = arith.constant 6.84931525E-4 : f32
      %mul3A_266 = vector.broadcast %mul3A_265 : f32 to vector<16xf32>
      %mul3A_267 = arith.mulf %add3A_264, %mul3A_266 : vector<16xf32>
      %convert_element_type3A_268 = arith.fptosi %mul3A_267 : vector<16xf32> to vector<16xi32>
      %convert_element_type3A_269 = arith.sitofp %convert_element_type3A_268 : vector<16xi32> to vector<16xf32>
      %sub3A_270 = arith.subf %sub3A_261, %convert_element_type3A_269 : vector<16xf32>
      %add3A_271 = arith.constant 5.000000e-01 : f32
      %add3A_272 = vector.broadcast %add3A_271 : f32 to vector<16xf32>
      %add3A_273 = arith.addf %sub3A_261, %add3A_272 : vector<16xf32>
      %mul3A_274 = arith.constant 2.73792575E-5 : f32
      %mul3A_275 = vector.broadcast %mul3A_274 : f32 to vector<16xf32>
      %mul3A_276 = arith.mulf %add3A_273, %mul3A_275 : vector<16xf32>
      %convert_element_type3A_277 = arith.fptosi %mul3A_276 : vector<16xf32> to vector<16xi32>
      %convert_element_type3A_278 = arith.sitofp %convert_element_type3A_277 : vector<16xi32> to vector<16xf32>
      %add3A_279 = arith.addf %sub3A_270, %convert_element_type3A_278 : vector<16xf32>
      %add3A_280 = arith.constant 5.000000e-01 : f32
      %add3A_281 = vector.broadcast %add3A_280 : f32 to vector<16xf32>
      %add3A_282 = arith.addf %sub3A_261, %add3A_281 : vector<16xf32>
      %mul3A_283 = arith.constant 6.84481438E-6 : f32
      %mul3A_284 = vector.broadcast %mul3A_283 : f32 to vector<16xf32>
      %mul3A_285 = arith.mulf %add3A_282, %mul3A_284 : vector<16xf32>
      %convert_element_type3A_286 = arith.fptosi %mul3A_285 : vector<16xf32> to vector<16xi32>
      %convert_element_type3A_287 = arith.sitofp %convert_element_type3A_286 : vector<16xi32> to vector<16xf32>
      %sub3A_288 = arith.subf %add3A_279, %convert_element_type3A_287 : vector<16xf32>
      %add3A_289 = arith.constant 5.000000e-01 : f32
      %add3A_290 = vector.broadcast %add3A_289 : f32 to vector<16xf32>
      %add3A_291 = arith.addf %sub3A_288, %add3A_290 : vector<16xf32>
      %mul3A_292 = arith.constant 0.0027397261 : f32
      %mul3A_293 = vector.broadcast %mul3A_292 : f32 to vector<16xf32>
      %mul3A_294 = arith.mulf %add3A_291, %mul3A_293 : vector<16xf32>
      %convert_element_type3A_295 = arith.fptosi %mul3A_294 : vector<16xf32> to vector<16xi32>
      %convert_element_type3A_296 = arith.sitofp %convert_element_type3A_295 : vector<16xi32> to vector<16xf32>
      %mul3A_297 = arith.constant 3.650000e+02 : f32
      %mul3A_298 = vector.broadcast %mul3A_297 : f32 to vector<16xf32>
      %mul3A_299 = arith.mulf %mul3A_298, %convert_element_type3A_296 : vector<16xf32>
      %add3A_300 = arith.constant 5.000000e-01 : f32
      %add3A_301 = vector.broadcast %add3A_300 : f32 to vector<16xf32>
      %add3A_302 = arith.addf %convert_element_type3A_296, %add3A_301 : vector<16xf32>
      %mul3A_303 = arith.constant 2.500000e-01 : f32
      %mul3A_304 = vector.broadcast %mul3A_303 : f32 to vector<16xf32>
      %mul3A_305 = arith.mulf %add3A_302, %mul3A_304 : vector<16xf32>
      %convert_element_type3A_306 = arith.fptosi %mul3A_305 : vector<16xf32> to vector<16xi32>
      %convert_element_type3A_307 = arith.sitofp %convert_element_type3A_306 : vector<16xi32> to vector<16xf32>
      %add3A_308 = arith.addf %mul3A_299, %convert_element_type3A_307 : vector<16xf32>
      %add3A_309 = arith.constant 5.000000e-01 : f32
      %add3A_310 = vector.broadcast %add3A_309 : f32 to vector<16xf32>
      %add3A_311 = arith.addf %convert_element_type3A_296, %add3A_310 : vector<16xf32>
      %mul3A_312 = arith.constant 0.00999999977 : f32
      %mul3A_313 = vector.broadcast %mul3A_312 : f32 to vector<16xf32>
      %mul3A_314 = arith.mulf %add3A_311, %mul3A_313 : vector<16xf32>
      %convert_element_type3A_315 = arith.fptosi %mul3A_314 : vector<16xf32> to vector<16xi32>
      %convert_element_type3A_316 = arith.sitofp %convert_element_type3A_315 : vector<16xi32> to vector<16xf32>
      %sub3A_317 = arith.subf %add3A_308, %convert_element_type3A_316 : vector<16xf32>
      %sub3A_318 = arith.subf %sub3A_261, %sub3A_317 : vector<16xf32>
      %mul3A_319 = arith.constant 5.000000e+00 : f32
      %mul3A_320 = vector.broadcast %mul3A_319 : f32 to vector<16xf32>
      %mul3A_321 = arith.mulf %mul3A_320, %sub3A_318 : vector<16xf32>
      %add3A_322 = arith.constant 2.000000e+00 : f32
      %add3A_323 = vector.broadcast %add3A_322 : f32 to vector<16xf32>
      %add3A_324 = arith.addf %mul3A_321, %add3A_323 : vector<16xf32>
      %add3A_325 = arith.constant 5.000000e-01 : f32
      %add3A_326 = vector.broadcast %add3A_325 : f32 to vector<16xf32>
      %add3A_327 = arith.addf %add3A_324, %add3A_326 : vector<16xf32>
      %mul3A_328 = arith.constant 0.00653594779 : f32
      %mul3A_329 = vector.broadcast %mul3A_328 : f32 to vector<16xf32>
      %mul3A_330 = arith.mulf %add3A_327, %mul3A_329 : vector<16xf32>
      %convert_element_type3A_331 = arith.fptosi %mul3A_330 : vector<16xf32> to vector<16xi32>
      %convert_element_type3A_332 = arith.fptosi %sub3A_318 : vector<16xf32> to vector<16xi32>
      %convert_element_type3A_333 = arith.sitofp %convert_element_type3A_331 : vector<16xi32> to vector<16xf32>
      %mul3A_334 = arith.constant 1.530000e+02 : f32
      %mul3A_335 = vector.broadcast %mul3A_334 : f32 to vector<16xf32>
      %mul3A_336 = arith.mulf %mul3A_335, %convert_element_type3A_333 : vector<16xf32>
      %add3A_337 = arith.constant 2.000000e+00 : f32
      %add3A_338 = vector.broadcast %add3A_337 : f32 to vector<16xf32>
      %add3A_339 = arith.addf %mul3A_336, %add3A_338 : vector<16xf32>
      %add3A_340 = arith.constant 5.000000e-01 : f32
      %add3A_341 = vector.broadcast %add3A_340 : f32 to vector<16xf32>
      %add3A_342 = arith.addf %add3A_339, %add3A_341 : vector<16xf32>
      %mul3A_343 = arith.constant 2.000000e-01 : f32
      %mul3A_344 = vector.broadcast %mul3A_343 : f32 to vector<16xf32>
      %mul3A_345 = arith.mulf %add3A_342, %mul3A_344 : vector<16xf32>
      %convert_element_type3A_346 = arith.fptosi %mul3A_345 : vector<16xf32> to vector<16xi32>
      %sub3A_347 = arith.subi %convert_element_type3A_332, %convert_element_type3A_346 : vector<16xi32>
      %lt3A_348 = arith.constant 10 : i32
      %lt3A_349 = vector.broadcast %lt3A_348 : i32 to vector<16xi32>
      %lt3A_350 = arith.cmpi slt, %convert_element_type3A_331, %lt3A_349 : vector<16xi32>
      %jit3A = arith.constant 2 : i32
      %jit3A_351 = arith.constant -10 : i32
      %broadcast_in_dim3A = vector.broadcast %jit3A : i32 to vector<16xi32>
      %broadcast_in_dim3A_352 = vector.broadcast %jit3A_351 : i32 to vector<16xi32>
      %select_n3A_353 = arith.select %lt3A_350, %broadcast_in_dim3A, %broadcast_in_dim3A_352 : vector<16xi1>, vector<16xi32>
      %add3A_354 = arith.addi %convert_element_type3A_331, %select_n3A_353 : vector<16xi32>
      %mul3A_355 = arith.constant 372 : i32
      %mul3A_356 = vector.broadcast %mul3A_355 : i32 to vector<16xi32>
      %mul3A_357 = arith.muli %sub3A_246, %mul3A_356 : vector<16xi32>
      %mul3A_358 = arith.constant 31 : i32
      %mul3A_359 = vector.broadcast %mul3A_358 : i32 to vector<16xi32>
      %mul3A_360 = arith.muli %add3A_354, %mul3A_359 : vector<16xi32>
      %add3A_361 = arith.addi %mul3A_357, %mul3A_360 : vector<16xi32>
      %add3A_362 = arith.addi %add3A_361, %sub3A_347 : vector<16xi32>
      %mul3A_363 = arith.constant 16 : i32
      %mul3A_364 = arith.muli %scan3A_204, %mul3A_363 : i32
      %swap3A = arith.constant 3 : i32
      %swap3A_365 = arith.index_cast %swap3A : i32 to index
      %swap3A_366 = arith.index_cast %mul3A_364 : i32 to index
      %swap3A_367 = tpu.vector_load %arg6[%swap3A_365, %swap3A_366] {strides = array<i32>} : memref<4x128xi32, #tpu.memory_space<vmem>>, vector<1x16xi32>,
      %swap3A_368 = vector.shape_cast %swap3A_367 : vector<1x16xi32> to vector<16xi32>
      %swap3A_369 = vector.shape_cast %add3A_362 : vector<16xi32> to vector<1x16xi32>
      tpu.vector_store %arg6[%swap3A_365, %swap3A_366], %swap3A_369 {strides = array<i32>} : memref<4x128xi32, #tpu.memory_space<vmem>>, vector<1x16xi32>,
    }
    %scan3A_32 = arith.constant 8 : i32
    %dma_wait3A = arith.constant 0 : i32
    %dma_wait3A_33 = tpu.memref_slice %arg8[%mul3A_6, %dma_wait3A] : memref<2688x128xf32, #tpu.memory_space<vmem_shared>> -> memref<168x128xf32, #tpu.memory_space<vmem_shared>>
    %dma_wait3A_34 = arith.constant 0 : i32
    %dma_wait3A_35 = tpu.memref_slice %arg3[%mul3A_4, %dma_wait3A_34] : memref<2688x128xf32, #tpu.memory_space<hbm>> -> memref<168x128xf32, #tpu.memory_space<hbm>>
    tpu.wait_dma2 semaphore(%arg9 : memref<!tpu.dma_semaphore, #tpu.memory_space<semaphore_mem>>) src(%dma_wait3A_35 : memref<168x128xf32, #tpu.memory_space<hbm>>) dst(%dma_wait3A_33 : memref<168x128xf32, #tpu.memory_space<vmem_shared>>)
    %barrier3A = arith.constant 0 : index
    tpu.barrier barrier_id(%barrier3A)
    %dma_start3A_36 = arith.constant 0 : i32
    %dma_start3A_37 = arith.constant 0 : i32
    %dma_start3A_38 = arith.constant 0 : i32
    %dma_start3A_39 = tpu.memref_slice %arg7[%dma_start3A_37, %dma_start3A_38] : memref<512x128xf32, #tpu.memory_space<vmem>> -> memref<128x128xf32, #tpu.memory_space<vmem>>
    %dma_start3A_40 = arith.constant 0 : i32
    %dma_start3A_41 = tpu.memref_slice %arg6[%dma_start3A_36, %dma_start3A_40] : memref<4x128xi32, #tpu.memory_space<vmem>> -> memref<1x128xi32, #tpu.memory_space<vmem>>
    %dma_start3A_42 = tpu.memref_squeeze %dma_start3A_41 : memref<1x128xi32, #tpu.memory_space<vmem>> -> memref<128xi32, #tpu.memory_space<vmem>>
    %dma_start3A_43 = arith.constant 0 : i32
    %dma_start3A_44 = arith.constant 0 : i32
    %dma_start3A_45 = tpu.memref_slice %arg8[%dma_start3A_43, %dma_start3A_44] : memref<2688x128xf32, #tpu.memory_space<vmem_shared>> -> memref<2688x128xf32, #tpu.memory_space<vmem_shared>>
    tpu.enqueue_indirect_dma source(%dma_start3A_45 : memref<2688x128xf32, #tpu.memory_space<vmem_shared>>) target(%dma_start3A_39 : memref<128x128xf32, #tpu.memory_space<vmem>>) offsets(%dma_start3A_42 : memref<128xi32, #tpu.memory_space<vmem>>) semaphore(%arg9 : memref<!tpu.dma_semaphore, #tpu.memory_space<semaphore_mem>>)
    %dma_start3A_46 = arith.constant 1 : i32
    %dma_start3A_47 = arith.constant 128 : i32
    %dma_start3A_48 = arith.constant 0 : i32
    %dma_start3A_49 = tpu.memref_slice %arg7[%dma_start3A_47, %dma_start3A_48] : memref<512x128xf32, #tpu.memory_space<vmem>> -> memref<128x128xf32, #tpu.memory_space<vmem>>
    %dma_start3A_50 = arith.constant 0 : i32
    %dma_start3A_51 = tpu.memref_slice %arg6[%dma_start3A_46, %dma_start3A_50] : memref<4x128xi32, #tpu.memory_space<vmem>> -> memref<1x128xi32, #tpu.memory_space<vmem>>
    %dma_start3A_52 = tpu.memref_squeeze %dma_start3A_51 : memref<1x128xi32, #tpu.memory_space<vmem>> -> memref<128xi32, #tpu.memory_space<vmem>>
    %dma_start3A_53 = arith.constant 0 : i32
    %dma_start3A_54 = arith.constant 0 : i32
    %dma_start3A_55 = tpu.memref_slice %arg8[%dma_start3A_53, %dma_start3A_54] : memref<2688x128xf32, #tpu.memory_space<vmem_shared>> -> memref<2688x128xf32, #tpu.memory_space<vmem_shared>>
    tpu.enqueue_indirect_dma source(%dma_start3A_55 : memref<2688x128xf32, #tpu.memory_space<vmem_shared>>) target(%dma_start3A_49 : memref<128x128xf32, #tpu.memory_space<vmem>>) offsets(%dma_start3A_52 : memref<128xi32, #tpu.memory_space<vmem>>) semaphore(%arg9 : memref<!tpu.dma_semaphore, #tpu.memory_space<semaphore_mem>>)
    %dma_start3A_56 = arith.constant 2 : i32
    %dma_start3A_57 = arith.constant 256 : i32
    %dma_start3A_58 = arith.constant 0 : i32
    %dma_start3A_59 = tpu.memref_slice %arg7[%dma_start3A_57, %dma_start3A_58] : memref<512x128xf32, #tpu.memory_space<vmem>> -> memref<128x128xf32, #tpu.memory_space<vmem>>
    %dma_start3A_60 = arith.constant 0 : i32
    %dma_start3A_61 = tpu.memref_slice %arg6[%dma_start3A_56, %dma_start3A_60] : memref<4x128xi32, #tpu.memory_space<vmem>> -> memref<1x128xi32, #tpu.memory_space<vmem>>
    %dma_start3A_62 = tpu.memref_squeeze %dma_start3A_61 : memref<1x128xi32, #tpu.memory_space<vmem>> -> memref<128xi32, #tpu.memory_space<vmem>>
    %dma_start3A_63 = arith.constant 0 : i32
    %dma_start3A_64 = arith.constant 0 : i32
    %dma_start3A_65 = tpu.memref_slice %arg8[%dma_start3A_63, %dma_start3A_64] : memref<2688x128xf32, #tpu.memory_space<vmem_shared>> -> memref<2688x128xf32, #tpu.memory_space<vmem_shared>>
    tpu.enqueue_indirect_dma source(%dma_start3A_65 : memref<2688x128xf32, #tpu.memory_space<vmem_shared>>) target(%dma_start3A_59 : memref<128x128xf32, #tpu.memory_space<vmem>>) offsets(%dma_start3A_62 : memref<128xi32, #tpu.memory_space<vmem>>) semaphore(%arg9 : memref<!tpu.dma_semaphore, #tpu.memory_space<semaphore_mem>>)
    %dma_start3A_66 = arith.constant 3 : i32
    %dma_start3A_67 = arith.constant 384 : i32
    %dma_start3A_68 = arith.constant 0 : i32
    %dma_start3A_69 = tpu.memref_slice %arg7[%dma_start3A_67, %dma_start3A_68] : memref<512x128xf32, #tpu.memory_space<vmem>> -> memref<128x128xf32, #tpu.memory_space<vmem>>
    %dma_start3A_70 = arith.constant 0 : i32
    %dma_start3A_71 = tpu.memref_slice %arg6[%dma_start3A_66, %dma_start3A_70] : memref<4x128xi32, #tpu.memory_space<vmem>> -> memref<1x128xi32, #tpu.memory_space<vmem>>
    %dma_start3A_72 = tpu.memref_squeeze %dma_start3A_71 : memref<1x128xi32, #tpu.memory_space<vmem>> -> memref<128xi32, #tpu.memory_space<vmem>>
    %dma_start3A_73 = arith.constant 0 : i32
    %dma_start3A_74 = arith.constant 0 : i32
    %dma_start3A_75 = tpu.memref_slice %arg8[%dma_start3A_73, %dma_start3A_74] : memref<2688x128xf32, #tpu.memory_space<vmem_shared>> -> memref<2688x128xf32, #tpu.memory_space<vmem_shared>>
    tpu.enqueue_indirect_dma source(%dma_start3A_75 : memref<2688x128xf32, #tpu.memory_space<vmem_shared>>) target(%dma_start3A_69 : memref<128x128xf32, #tpu.memory_space<vmem>>) offsets(%dma_start3A_72 : memref<128xi32, #tpu.memory_space<vmem>>) semaphore(%arg9 : memref<!tpu.dma_semaphore, #tpu.memory_space<semaphore_mem>>)
    %dma_wait3A_76 = arith.constant 0 : i32
    %dma_wait3A_77 = arith.constant 0 : i32
    %dma_wait3A_78 = arith.constant 0 : i32
    %dma_wait3A_79 = tpu.memref_slice %arg7[%dma_wait3A_77, %dma_wait3A_78] : memref<512x128xf32, #tpu.memory_space<vmem>> -> memref<128x128xf32, #tpu.memory_space<vmem>>
    %dma_wait3A_80 = arith.constant 0 : i32
    %dma_wait3A_81 = tpu.memref_slice %arg6[%dma_wait3A_76, %dma_wait3A_80] : memref<4x128xi32, #tpu.memory_space<vmem>> -> memref<1x128xi32, #tpu.memory_space<vmem>>
    %dma_wait3A_82 = tpu.memref_squeeze %dma_wait3A_81 : memref<1x128xi32, #tpu.memory_space<vmem>> -> memref<128xi32, #tpu.memory_space<vmem>>
    %dma_wait3A_83 = arith.constant 0 : i32
    %dma_wait3A_84 = arith.constant 0 : i32
    %dma_wait3A_85 = tpu.memref_slice %arg8[%dma_wait3A_83, %dma_wait3A_84] : memref<2688x128xf32, #tpu.memory_space<vmem_shared>> -> memref<2688x128xf32, #tpu.memory_space<vmem_shared>>
    tpu.wait_indirect_dma semaphore(%arg9 : memref<!tpu.dma_semaphore, #tpu.memory_space<semaphore_mem>>) src(%dma_wait3A_85 : memref<2688x128xf32, #tpu.memory_space<vmem_shared>>) dst(%dma_wait3A_79 : memref<128x128xf32, #tpu.memory_space<vmem>>)
    %add3A_86 = arith.constant 0 : i32
    %add3A_87 = arith.addi %mul3A_2, %add3A_86 : i32
    %dma_start3A_88 = arith.constant 0 : i32
    %dma_start3A_89 = arith.constant 0 : i32
    %dma_start3A_90 = tpu.memref_slice %arg7[%dma_start3A_88, %dma_start3A_89] : memref<512x128xf32, #tpu.memory_space<vmem>> -> memref<128x128xf32, #tpu.memory_space<vmem>>
    %dma_start3A_91 = arith.constant 0 : i32
    %dma_start3A_92 = tpu.memref_slice %arg4[%add3A_87, %dma_start3A_91] : memref<16384x128xf32, #tpu.memory_space<hbm>> -> memref<128x128xf32, #tpu.memory_space<hbm>>
    %dma_start3A_93 = arith.constant 0 : i32
    %dma_start3A_94 = tpu.memref_slice %arg4[%add3A_87, %dma_start3A_93] : memref<16384x128xf32, #tpu.memory_space<hbm>> -> memref<128x128xf32, #tpu.memory_space<hbm>>
    %dma_start3A_95 = arith.constant 0 : i32
    %dma_start3A_96 = arith.constant 0 : i32
    %dma_start3A_97 = tpu.memref_slice %arg7[%dma_start3A_95, %dma_start3A_96] : memref<512x128xf32, #tpu.memory_space<vmem>> -> memref<128x128xf32, #tpu.memory_space<vmem>>
    tpu.enqueue_dma source(%dma_start3A_97 : memref<128x128xf32, #tpu.memory_space<vmem>>) target(%dma_start3A_94 : memref<128x128xf32, #tpu.memory_space<hbm>>) target_semaphore(%arg10 : memref<!tpu.dma_semaphore, #tpu.memory_space<semaphore_mem>>)
    %dma_wait3A_98 = arith.constant 1 : i32
    %dma_wait3A_99 = arith.constant 128 : i32
    %dma_wait3A_100 = arith.constant 0 : i32
    %dma_wait3A_101 = tpu.memref_slice %arg7[%dma_wait3A_99, %dma_wait3A_100] : memref<512x128xf32, #tpu.memory_space<vmem>> -> memref<128x128xf32, #tpu.memory_space<vmem>>
    %dma_wait3A_102 = arith.constant 0 : i32
    %dma_wait3A_103 = tpu.memref_slice %arg6[%dma_wait3A_98, %dma_wait3A_102] : memref<4x128xi32, #tpu.memory_space<vmem>> -> memref<1x128xi32, #tpu.memory_space<vmem>>
    %dma_wait3A_104 = tpu.memref_squeeze %dma_wait3A_103 : memref<1x128xi32, #tpu.memory_space<vmem>> -> memref<128xi32, #tpu.memory_space<vmem>>
    %dma_wait3A_105 = arith.constant 0 : i32
    %dma_wait3A_106 = arith.constant 0 : i32
    %dma_wait3A_107 = tpu.memref_slice %arg8[%dma_wait3A_105, %dma_wait3A_106] : memref<2688x128xf32, #tpu.memory_space<vmem_shared>> -> memref<2688x128xf32, #tpu.memory_space<vmem_shared>>
    tpu.wait_indirect_dma semaphore(%arg9 : memref<!tpu.dma_semaphore, #tpu.memory_space<semaphore_mem>>) src(%dma_wait3A_107 : memref<2688x128xf32, #tpu.memory_space<vmem_shared>>) dst(%dma_wait3A_101 : memref<128x128xf32, #tpu.memory_space<vmem>>)
    %add3A_108 = arith.constant 128 : i32
    %add3A_109 = arith.addi %mul3A_2, %add3A_108 : i32
    %dma_start3A_110 = arith.constant 128 : i32
    %dma_start3A_111 = arith.constant 0 : i32
    %dma_start3A_112 = tpu.memref_slice %arg7[%dma_start3A_110, %dma_start3A_111] : memref<512x128xf32, #tpu.memory_space<vmem>> -> memref<128x128xf32, #tpu.memory_space<vmem>>
    %dma_start3A_113 = arith.constant 0 : i32
    %dma_start3A_114 = tpu.memref_slice %arg4[%add3A_109, %dma_start3A_113] : memref<16384x128xf32, #tpu.memory_space<hbm>> -> memref<128x128xf32, #tpu.memory_space<hbm>>
    %dma_start3A_115 = arith.constant 0 : i32
    %dma_start3A_116 = tpu.memref_slice %arg4[%add3A_109, %dma_start3A_115] : memref<16384x128xf32, #tpu.memory_space<hbm>> -> memref<128x128xf32, #tpu.memory_space<hbm>>
    %dma_start3A_117 = arith.constant 128 : i32
    %dma_start3A_118 = arith.constant 0 : i32
    %dma_start3A_119 = tpu.memref_slice %arg7[%dma_start3A_117, %dma_start3A_118] : memref<512x128xf32, #tpu.memory_space<vmem>> -> memref<128x128xf32, #tpu.memory_space<vmem>>
    tpu.enqueue_dma source(%dma_start3A_119 : memref<128x128xf32, #tpu.memory_space<vmem>>) target(%dma_start3A_116 : memref<128x128xf32, #tpu.memory_space<hbm>>) target_semaphore(%arg10 : memref<!tpu.dma_semaphore, #tpu.memory_space<semaphore_mem>>)
    %dma_wait3A_120 = arith.constant 2 : i32
    %dma_wait3A_121 = arith.constant 256 : i32
    %dma_wait3A_122 = arith.constant 0 : i32
    %dma_wait3A_123 = tpu.memref_slice %arg7[%dma_wait3A_121, %dma_wait3A_122] : memref<512x128xf32, #tpu.memory_space<vmem>> -> memref<128x128xf32, #tpu.memory_space<vmem>>
    %dma_wait3A_124 = arith.constant 0 : i32
    %dma_wait3A_125 = tpu.memref_slice %arg6[%dma_wait3A_120, %dma_wait3A_124] : memref<4x128xi32, #tpu.memory_space<vmem>> -> memref<1x128xi32, #tpu.memory_space<vmem>>
    %dma_wait3A_126 = tpu.memref_squeeze %dma_wait3A_125 : memref<1x128xi32, #tpu.memory_space<vmem>> -> memref<128xi32, #tpu.memory_space<vmem>>
    %dma_wait3A_127 = arith.constant 0 : i32
    %dma_wait3A_128 = arith.constant 0 : i32
    %dma_wait3A_129 = tpu.memref_slice %arg8[%dma_wait3A_127, %dma_wait3A_128] : memref<2688x128xf32, #tpu.memory_space<vmem_shared>> -> memref<2688x128xf32, #tpu.memory_space<vmem_shared>>
    tpu.wait_indirect_dma semaphore(%arg9 : memref<!tpu.dma_semaphore, #tpu.memory_space<semaphore_mem>>) src(%dma_wait3A_129 : memref<2688x128xf32, #tpu.memory_space<vmem_shared>>) dst(%dma_wait3A_123 : memref<128x128xf32, #tpu.memory_space<vmem>>)
    %add3A_130 = arith.constant 256 : i32
    %add3A_131 = arith.addi %mul3A_2, %add3A_130 : i32
    %dma_start3A_132 = arith.constant 256 : i32
    %dma_start3A_133 = arith.constant 0 : i32
    %dma_start3A_134 = tpu.memref_slice %arg7[%dma_start3A_132, %dma_start3A_133] : memref<512x128xf32, #tpu.memory_space<vmem>> -> memref<128x128xf32, #tpu.memory_space<vmem>>
    %dma_start3A_135 = arith.constant 0 : i32
    %dma_start3A_136 = tpu.memref_slice %arg4[%add3A_131, %dma_start3A_135] : memref<16384x128xf32, #tpu.memory_space<hbm>> -> memref<128x128xf32, #tpu.memory_space<hbm>>
    %dma_start3A_137 = arith.constant 0 : i32
    %dma_start3A_138 = tpu.memref_slice %arg4[%add3A_131, %dma_start3A_137] : memref<16384x128xf32, #tpu.memory_space<hbm>> -> memref<128x128xf32, #tpu.memory_space<hbm>>
    %dma_start3A_139 = arith.constant 256 : i32
    %dma_start3A_140 = arith.constant 0 : i32
    %dma_start3A_141 = tpu.memref_slice %arg7[%dma_start3A_139, %dma_start3A_140] : memref<512x128xf32, #tpu.memory_space<vmem>> -> memref<128x128xf32, #tpu.memory_space<vmem>>
    tpu.enqueue_dma source(%dma_start3A_141 : memref<128x128xf32, #tpu.memory_space<vmem>>) target(%dma_start3A_138 : memref<128x128xf32, #tpu.memory_space<hbm>>) target_semaphore(%arg10 : memref<!tpu.dma_semaphore, #tpu.memory_space<semaphore_mem>>)
    %dma_wait3A_142 = arith.constant 3 : i32
    %dma_wait3A_143 = arith.constant 384 : i32
    %dma_wait3A_144 = arith.constant 0 : i32
    %dma_wait3A_145 = tpu.memref_slice %arg7[%dma_wait3A_143, %dma_wait3A_144] : memref<512x128xf32, #tpu.memory_space<vmem>> -> memref<128x128xf32, #tpu.memory_space<vmem>>
    %dma_wait3A_146 = arith.constant 0 : i32
    %dma_wait3A_147 = tpu.memref_slice %arg6[%dma_wait3A_142, %dma_wait3A_146] : memref<4x128xi32, #tpu.memory_space<vmem>> -> memref<1x128xi32, #tpu.memory_space<vmem>>
    %dma_wait3A_148 = tpu.memref_squeeze %dma_wait3A_147 : memref<1x128xi32, #tpu.memory_space<vmem>> -> memref<128xi32, #tpu.memory_space<vmem>>
    %dma_wait3A_149 = arith.constant 0 : i32
    %dma_wait3A_150 = arith.constant 0 : i32
    %dma_wait3A_151 = tpu.memref_slice %arg8[%dma_wait3A_149, %dma_wait3A_150] : memref<2688x128xf32, #tpu.memory_space<vmem_shared>> -> memref<2688x128xf32, #tpu.memory_space<vmem_shared>>
    tpu.wait_indirect_dma semaphore(%arg9 : memref<!tpu.dma_semaphore, #tpu.memory_space<semaphore_mem>>) src(%dma_wait3A_151 : memref<2688x128xf32, #tpu.memory_space<vmem_shared>>) dst(%dma_wait3A_145 : memref<128x128xf32, #tpu.memory_space<vmem>>)
    %add3A_152 = arith.constant 384 : i32
    %add3A_153 = arith.addi %mul3A_2, %add3A_152 : i32
    %dma_start3A_154 = arith.constant 384 : i32
    %dma_start3A_155 = arith.constant 0 : i32
    %dma_start3A_156 = tpu.memref_slice %arg7[%dma_start3A_154, %dma_start3A_155] : memref<512x128xf32, #tpu.memory_space<vmem>> -> memref<128x128xf32, #tpu.memory_space<vmem>>
    %dma_start3A_157 = arith.constant 0 : i32
    %dma_start3A_158 = tpu.memref_slice %arg4[%add3A_153, %dma_start3A_157] : memref<16384x128xf32, #tpu.memory_space<hbm>> -> memref<128x128xf32, #tpu.memory_space<hbm>>
    %dma_start3A_159 = arith.constant 0 : i32
    %dma_start3A_160 = tpu.memref_slice %arg4[%add3A_153, %dma_start3A_159] : memref<16384x128xf32, #tpu.memory_space<hbm>> -> memref<128x128xf32, #tpu.memory_space<hbm>>
    %dma_start3A_161 = arith.constant 384 : i32
    %dma_start3A_162 = arith.constant 0 : i32
    %dma_start3A_163 = tpu.memref_slice %arg7[%dma_start3A_161, %dma_start3A_162] : memref<512x128xf32, #tpu.memory_space<vmem>> -> memref<128x128xf32, #tpu.memory_space<vmem>>
    tpu.enqueue_dma source(%dma_start3A_163 : memref<128x128xf32, #tpu.memory_space<vmem>>) target(%dma_start3A_160 : memref<128x128xf32, #tpu.memory_space<hbm>>) target_semaphore(%arg10 : memref<!tpu.dma_semaphore, #tpu.memory_space<semaphore_mem>>)
    %dma_wait3A_164 = arith.constant 0 : i32
    %dma_wait3A_165 = arith.constant 0 : i32
    %dma_wait3A_166 = tpu.memref_slice %arg7[%dma_wait3A_164, %dma_wait3A_165] : memref<512x128xf32, #tpu.memory_space<vmem>> -> memref<128x128xf32, #tpu.memory_space<vmem>>
    %dma_wait3A_167 = arith.constant 0 : i32
    %dma_wait3A_168 = tpu.memref_slice %arg4[%add3A_87, %dma_wait3A_167] : memref<16384x128xf32, #tpu.memory_space<hbm>> -> memref<128x128xf32, #tpu.memory_space<hbm>>
    %dma_wait3A_169 = arith.constant 0 : i32
    %dma_wait3A_170 = tpu.memref_slice %arg4[%add3A_87, %dma_wait3A_169] : memref<16384x128xf32, #tpu.memory_space<hbm>> -> memref<128x128xf32, #tpu.memory_space<hbm>>
    %dma_wait3A_171 = arith.constant 0 : i32
    %dma_wait3A_172 = arith.constant 0 : i32
    %dma_wait3A_173 = tpu.memref_slice %arg7[%dma_wait3A_171, %dma_wait3A_172] : memref<512x128xf32, #tpu.memory_space<vmem>> -> memref<128x128xf32, #tpu.memory_space<vmem>>
    tpu.wait_dma2 semaphore(%arg10 : memref<!tpu.dma_semaphore, #tpu.memory_space<semaphore_mem>>) src(%dma_wait3A_173 : memref<128x128xf32, #tpu.memory_space<vmem>>) dst(%dma_wait3A_170 : memref<128x128xf32, #tpu.memory_space<hbm>>)
    %dma_wait3A_174 = arith.constant 128 : i32
    %dma_wait3A_175 = arith.constant 0 : i32
    %dma_wait3A_176 = tpu.memref_slice %arg7[%dma_wait3A_174, %dma_wait3A_175] : memref<512x128xf32, #tpu.memory_space<vmem>> -> memref<128x128xf32, #tpu.memory_space<vmem>>
    %dma_wait3A_177 = arith.constant 0 : i32
    %dma_wait3A_178 = tpu.memref_slice %arg4[%add3A_109, %dma_wait3A_177] : memref<16384x128xf32, #tpu.memory_space<hbm>> -> memref<128x128xf32, #tpu.memory_space<hbm>>
    %dma_wait3A_179 = arith.constant 0 : i32
    %dma_wait3A_180 = tpu.memref_slice %arg4[%add3A_109, %dma_wait3A_179] : memref<16384x128xf32, #tpu.memory_space<hbm>> -> memref<128x128xf32, #tpu.memory_space<hbm>>
    %dma_wait3A_181 = arith.constant 128 : i32
    %dma_wait3A_182 = arith.constant 0 : i32
    %dma_wait3A_183 = tpu.memref_slice %arg7[%dma_wait3A_181, %dma_wait3A_182] : memref<512x128xf32, #tpu.memory_space<vmem>> -> memref<128x128xf32, #tpu.memory_space<vmem>>
    tpu.wait_dma2 semaphore(%arg10 : memref<!tpu.dma_semaphore, #tpu.memory_space<semaphore_mem>>) src(%dma_wait3A_183 : memref<128x128xf32, #tpu.memory_space<vmem>>) dst(%dma_wait3A_180 : memref<128x128xf32, #tpu.memory_space<hbm>>)
    %dma_wait3A_184 = arith.constant 256 : i32
    %dma_wait3A_185 = arith.constant 0 : i32
    %dma_wait3A_186 = tpu.memref_slice %arg7[%dma_wait3A_184, %dma_wait3A_185] : memref<512x128xf32, #tpu.memory_space<vmem>> -> memref<128x128xf32, #tpu.memory_space<vmem>>
    %dma_wait3A_187 = arith.constant 0 : i32
    %dma_wait3A_188 = tpu.memref_slice %arg4[%add3A_131, %dma_wait3A_187] : memref<16384x128xf32, #tpu.memory_space<hbm>> -> memref<128x128xf32, #tpu.memory_space<hbm>>
    %dma_wait3A_189 = arith.constant 0 : i32
    %dma_wait3A_190 = tpu.memref_slice %arg4[%add3A_131, %dma_wait3A_189] : memref<16384x128xf32, #tpu.memory_space<hbm>> -> memref<128x128xf32, #tpu.memory_space<hbm>>
    %dma_wait3A_191 = arith.constant 256 : i32
    %dma_wait3A_192 = arith.constant 0 : i32
    %dma_wait3A_193 = tpu.memref_slice %arg7[%dma_wait3A_191, %dma_wait3A_192] : memref<512x128xf32, #tpu.memory_space<vmem>> -> memref<128x128xf32, #tpu.memory_space<vmem>>
    tpu.wait_dma2 semaphore(%arg10 : memref<!tpu.dma_semaphore, #tpu.memory_space<semaphore_mem>>) src(%dma_wait3A_193 : memref<128x128xf32, #tpu.memory_space<vmem>>) dst(%dma_wait3A_190 : memref<128x128xf32, #tpu.memory_space<hbm>>)
    %dma_wait3A_194 = arith.constant 384 : i32
    %dma_wait3A_195 = arith.constant 0 : i32
    %dma_wait3A_196 = tpu.memref_slice %arg7[%dma_wait3A_194, %dma_wait3A_195] : memref<512x128xf32, #tpu.memory_space<vmem>> -> memref<128x128xf32, #tpu.memory_space<vmem>>
    %dma_wait3A_197 = arith.constant 0 : i32
    %dma_wait3A_198 = tpu.memref_slice %arg4[%add3A_153, %dma_wait3A_197] : memref<16384x128xf32, #tpu.memory_space<hbm>> -> memref<128x128xf32, #tpu.memory_space<hbm>>
    %dma_wait3A_199 = arith.constant 0 : i32
    %dma_wait3A_200 = tpu.memref_slice %arg4[%add3A_153, %dma_wait3A_199] : memref<16384x128xf32, #tpu.memory_space<hbm>> -> memref<128x128xf32, #tpu.memory_space<hbm>>
    %dma_wait3A_201 = arith.constant 384 : i32
    %dma_wait3A_202 = arith.constant 0 : i32
    %dma_wait3A_203 = tpu.memref_slice %arg7[%dma_wait3A_201, %dma_wait3A_202] : memref<512x128xf32, #tpu.memory_space<vmem>> -> memref<128x128xf32, #tpu.memory_space<vmem>>
    tpu.wait_dma2 semaphore(%arg10 : memref<!tpu.dma_semaphore, #tpu.memory_space<semaphore_mem>>) src(%dma_wait3A_203 : memref<128x128xf32, #tpu.memory_space<vmem>>) dst(%dma_wait3A_200 : memref<128x128xf32, #tpu.memory_space<hbm>>)
    return
  }
}

module attributes {stable_mosaic.version = 14 : i64} {
  func.func @body(%arg0: memref<7x128xf32, #tpu.memory_space<vmem>>, %arg1: memref<12x128xf32, #tpu.memory_space<vmem>>, %arg2: memref<31x128xf32, #tpu.memory_space<vmem>>, %arg3: memref<2688x128xf32, #tpu.memory_space<vmem>>) attributes {dimension_semantics = [], scalar_prefetch = 0 : i64, scratch_operands = 0 : i64, tpu.core_type = #tpu.core_type<tc>} {
    %iota3A = tpu.iota {dimensions = array<i32: 0>} : vector<2688x1xi32>
    %convert_element_type3A = arith.sitofp %iota3A : vector<2688x1xi32> to vector<2688x1xf32>
    %add3A = arith.constant 5.000000e-01 : f32
    %add3A_0 = vector.broadcast %add3A : f32 to vector<2688x1xf32>
    %add3A_1 = arith.addf %convert_element_type3A, %add3A_0 : vector<2688x1xf32>
    %mul3A = arith.constant 0.0322580636 : f32
    %mul3A_2 = vector.broadcast %mul3A : f32 to vector<2688x1xf32>
    %mul3A_3 = arith.mulf %add3A_1, %mul3A_2 : vector<2688x1xf32>
    %convert_element_type3A_4 = arith.fptosi %mul3A_3 : vector<2688x1xf32> to vector<2688x1xi32>
    %add3A_5 = arith.constant 5.000000e-01 : f32
    %add3A_6 = vector.broadcast %add3A_5 : f32 to vector<2688x1xf32>
    %add3A_7 = arith.addf %convert_element_type3A, %add3A_6 : vector<2688x1xf32>
    %mul3A_8 = arith.constant 0.00268817204 : f32
    %mul3A_9 = vector.broadcast %mul3A_8 : f32 to vector<2688x1xf32>
    %mul3A_10 = arith.mulf %add3A_7, %mul3A_9 : vector<2688x1xf32>
    %convert_element_type3A_11 = arith.fptosi %mul3A_10 : vector<2688x1xf32> to vector<2688x1xi32>
    %convert_element_type3A_12 = arith.sitofp %convert_element_type3A_4 : vector<2688x1xi32> to vector<2688x1xf32>
    %add3A_13 = arith.constant 5.000000e-01 : f32
    %add3A_14 = vector.broadcast %add3A_13 : f32 to vector<2688x1xf32>
    %add3A_15 = arith.addf %convert_element_type3A_12, %add3A_14 : vector<2688x1xf32>
    %mul3A_16 = arith.constant 0.0833333358 : f32
    %mul3A_17 = vector.broadcast %mul3A_16 : f32 to vector<2688x1xf32>
    %mul3A_18 = arith.mulf %add3A_15, %mul3A_17 : vector<2688x1xf32>
    %convert_element_type3A_19 = arith.fptosi %mul3A_18 : vector<2688x1xf32> to vector<2688x1xi32>
    %mul3A_20 = arith.constant 12 : i32
    %mul3A_21 = vector.broadcast %mul3A_20 : i32 to vector<2688x1xi32>
    %mul3A_22 = arith.muli %mul3A_21, %convert_element_type3A_19 : vector<2688x1xi32>
    %sub3A = arith.subi %convert_element_type3A_4, %mul3A_22 : vector<2688x1xi32>
    %mul3A_23 = arith.constant 31 : i32
    %mul3A_24 = vector.broadcast %mul3A_23 : i32 to vector<2688x1xi32>
    %mul3A_25 = arith.muli %mul3A_24, %convert_element_type3A_4 : vector<2688x1xi32>
    %sub3A_26 = arith.subi %iota3A, %mul3A_25 : vector<2688x1xi32>
    %iota3A_27 = tpu.iota {dimensions = array<i32: 1>} : vector<2688x64xi32>
    %lt3A = arith.constant 2604 : i32
    %lt3A_28 = vector.broadcast %lt3A : i32 to vector<2688x1xi32>
    %lt3A_29 = arith.cmpi slt, %iota3A, %lt3A_28 : vector<2688x1xi32>
    %eq3A = vector.broadcast %convert_element_type3A_11 : vector<2688x1xi32> to vector<2688x64xi32>
    %eq3A_30 = arith.cmpi eq, %iota3A_27, %eq3A : vector<2688x64xi32>
    %and3A = vector.broadcast %lt3A_29 : vector<2688x1xi1> to vector<2688x64xi1>
    %and3A_31 = arith.andi %and3A, %eq3A_30 : vector<2688x64xi1>
    %jit3A = arith.constant 1.000000e+00 : f32
    %jit3A_32 = arith.constant 0.000000e+00 : f32
    %broadcast_in_dim3A = vector.broadcast %jit3A : f32 to vector<2688x64xf32>
    %broadcast_in_dim3A_33 = vector.broadcast %jit3A_32 : f32 to vector<2688x64xf32>
    %select_n3A = arith.select %and3A_31, %broadcast_in_dim3A, %broadcast_in_dim3A_33 : vector<2688x64xi1>, vector<2688x64xf32>
    %add3A_34 = arith.constant 7 : i32
    %add3A_35 = vector.broadcast %add3A_34 : i32 to vector<2688x1xi32>
    %add3A_36 = arith.addi %add3A_35, %sub3A : vector<2688x1xi32>
    %eq3A_37 = vector.broadcast %add3A_36 : vector<2688x1xi32> to vector<2688x64xi32>
    %eq3A_38 = arith.cmpi eq, %iota3A_27, %eq3A_37 : vector<2688x64xi32>
    %and3A_39 = vector.broadcast %lt3A_29 : vector<2688x1xi1> to vector<2688x64xi1>
    %and3A_40 = arith.andi %and3A_39, %eq3A_38 : vector<2688x64xi1>
    %jit3A_41 = arith.constant 1.000000e+00 : f32
    %jit3A_42 = arith.constant 0.000000e+00 : f32
    %broadcast_in_dim3A_43 = vector.broadcast %jit3A_41 : f32 to vector<2688x64xf32>
    %broadcast_in_dim3A_44 = vector.broadcast %jit3A_42 : f32 to vector<2688x64xf32>
    %select_n3A_45 = arith.select %and3A_40, %broadcast_in_dim3A_43, %broadcast_in_dim3A_44 : vector<2688x64xi1>, vector<2688x64xf32>
    %add3A_46 = arith.addf %select_n3A, %select_n3A_45 : vector<2688x64xf32>
    %add3A_47 = arith.constant 19 : i32
    %add3A_48 = vector.broadcast %add3A_47 : i32 to vector<2688x1xi32>
    %add3A_49 = arith.addi %add3A_48, %sub3A_26 : vector<2688x1xi32>
    %eq3A_50 = vector.broadcast %add3A_49 : vector<2688x1xi32> to vector<2688x64xi32>
    %eq3A_51 = arith.cmpi eq, %iota3A_27, %eq3A_50 : vector<2688x64xi32>
    %and3A_52 = vector.broadcast %lt3A_29 : vector<2688x1xi1> to vector<2688x64xi1>
    %and3A_53 = arith.andi %and3A_52, %eq3A_51 : vector<2688x64xi1>
    %jit3A_54 = arith.constant 1.000000e+00 : f32
    %jit3A_55 = arith.constant 0.000000e+00 : f32
    %broadcast_in_dim3A_56 = vector.broadcast %jit3A_54 : f32 to vector<2688x64xf32>
    %broadcast_in_dim3A_57 = vector.broadcast %jit3A_55 : f32 to vector<2688x64xf32>
    %select_n3A_58 = arith.select %and3A_53, %broadcast_in_dim3A_56, %broadcast_in_dim3A_57 : vector<2688x64xi1>, vector<2688x64xf32>
    %add3A_59 = arith.addf %add3A_46, %select_n3A_58 : vector<2688x64xf32>
    %get3A = arith.constant 0 : index
    %get3A_60 = arith.constant 0 : index
    %get3A_61 = vector.load %arg0[%get3A, %get3A_60] : memref<7x128xf32, #tpu.memory_space<vmem>>, vector<7x128xf32>
    %get3A_62 = arith.constant 0 : index
    %get3A_63 = arith.constant 0 : index
    %get3A_64 = vector.load %arg1[%get3A_62, %get3A_63] : memref<12x128xf32, #tpu.memory_space<vmem>>, vector<12x128xf32>
    %get3A_65 = arith.constant 0 : index
    %get3A_66 = arith.constant 0 : index
    %get3A_67 = vector.load %arg2[%get3A_65, %get3A_66] : memref<31x128xf32, #tpu.memory_space<vmem>>, vector<31x128xf32>
    %broadcast_in_dim3A_68 = arith.constant 0.000000e+00 : f32
    %broadcast_in_dim3A_69 = vector.broadcast %broadcast_in_dim3A_68 : f32 to vector<14x128xf32>
    %concatenate3A = tpu.concatenate %get3A_61, %get3A_64, %get3A_67, %broadcast_in_dim3A_69 in 0 : vector<7x128xf32>, vector<12x128xf32>, vector<31x128xf32>, vector<14x128xf32> -> vector<64x128xf32>
    %dot_general3A = arith.constant dense<0.000000e+00> : vector<2688x128xf32>
    %dot_general3A_70 = tpu.matmul %add3A_59, %concatenate3A, %dot_general3A {dimension_numbers = #tpu.dot_dimension_numbers<[1], [0], [0], [1], [0, 0, 1, 1], [], []>, transpose_lhs_hint = false} : vector<2688x64xf32>, vector<64x128xf32>, vector<2688x128xf32> -> vector<2688x128xf32>
    %swap3A = arith.constant 0 : index
    %swap3A_71 = arith.constant 0 : index
    %swap3A_72 = vector.load %arg3[%swap3A, %swap3A_71] : memref<2688x128xf32, #tpu.memory_space<vmem>>, vector<2688x128xf32>
    tpu.vector_store %arg3[%swap3A, %swap3A_71], %dot_general3A_70 {strides = array<i32>} : memref<2688x128xf32, #tpu.memory_space<vmem>>, vector<2688x128xf32>,
    return
  }
}

</mosaic_0001>

<sc_bundles>
// kernel: kernel.4.cloned.1.call-start
scs
__scs_entry_jumppad:
0x0: {  	(pc) =	sbr.rel $0x88, $3  }
0x1: {  	(tag) =	ssettag $0x0;
	lr =	simm.s32 $0x1  }
0x2: {  	[smem:$0x3F9D] =	sst lr;
	_ =	strace $0xD0000000  }
0x3: {  	_ = 	snop  }
0x4: {  	_ = 	snop  }
0x5: {  	_ = 	snop  }
0x6: {  	_ = 	snop  }
0x7: {  	_ = 	snop  }
__scs_overlays_trampoline_lowered:
0x8: {  	[smem:$0x3FAC] =	sst s0  }
0x9: {  	[smem:$0x3FAD] =	sst s1  }
0xa: {  	[smem:$0x3FAE] =	sst s2  }
0xb: {  	[smem:$0x3FAF] =	sst s3  }
0xc: {  	[smem:$0x3FB0] =	sst s4  }
0xd: {  	[smem:$0x3FB1] =	sst s5  }
0xe: {  	[smem:$0x3FB2] =	sst s6  }
0xf: {  	[smem:$0x3FB3] =	sst s7  }
0x10: {  	[smem:$0x3FB4] =	sst s8  }
0x11: {  	[smem:$0x3FB5] =	sst s9;
	s0 =	simm.s32 @!p0 $0x0  }
0x12: {  	s1 =	sld [smem:$0x3F9B];
	s0 =	simm.s32 @p0 $0x1  }
0x13: {  	[smem:$0x3FB6] =	sst s0;
	s0 =	simm.s32 @!p1 $0x0  }
0x14: {  	s2 =	sld [smem:$0x3F9A];
	s0 =	simm.s32 @p1 $0x1  }
0x15: {  	[smem:$0x3FB7] =	sst s0;
	s0 =	simm.s32 @!p2 $0x0  }
0x16: {  	s3 =	sld [smem:$0x3FDB];
	s0 =	simm.s32 @p2 $0x1  }
0x17: {  	s4 =	simm.s32 $0x1BF5;
	[smem:$0x3FB9] =	sst s0  }
0x18: {  	s0 =	sld [smem:$0x3F9C];
	_ =	swait.ge [sflag:s4], $0x0  }
0x19: {  	s7 =	sld [smem:$0x3F9D]  }
0x1a: {  	s8 =	sadd.s32 $0xFFFFE003, lr  }
0x1b: {  	s9 =	sadd.s32 $0xFFFFFEF7, lr;
	s5 =	simm.s32 $0xFFFFFFFF;
	p2 =	slt.u32 s8, $0xFFFFF086  }
0x1c: {  	p1 =	slt.u32 s9, $0xF7A;
	s5 =	simm.s32 @!p2 $0x0  }
0x1d: {  	s5 =	simm.s32 @p1 $0x1;
	p0 =	seq.s32 s7, s2  }
0x1e: {  	s7 =	smul.u32 @!p0 $0xF7A, s2;
	p2 =	seq.s32 @!p0 s5, $0x0  }
0x1f: {  	s9 =	smul.u32 $0xF7A, s1;
	s8 =	simm.s32 @!p0 $0x1BF5;
	p2 =	por !p2, p0  }
0x20: {  	[sflag:s8] =	ssyncset.s32 @!p0 $0xFFFFF086;
	s6 =	sadd.s32 @!p0 s3, s7;
	s7 =	simm.s32 @!p0 $0x108  }
0x21: {  	s3 =	sadd.s32 s3, s9;
	s6 =	sadd.s32 @!p0 $0x88, s6;
	s7 =	simm.s32 @p2 $0x1082  }
0x22: {  	[simem:s7], [sflag:s8] =	dma.local @!p0 [hbm:s6], $0xF7A  }
0x23: {  	s9 =	sor.u32 $0xD0000000, s2;
	s6 =	simm.s32 $0x108;
	_ =	swait.ge @!p0 [sflag:s8], $0x0  }
0x24: {  	s3 =	sadd.s32 $0x88, s3;
	s6 =	simm.s32 @!p1 $0x1082;
	[sflag:s4] =	ssyncset.s32 $0xFFFFF086  }
0x25: {  	[simem:s6], [sflag:s4] =	dma.local [hbm:s3], $0xF7A  }
0x26: {  	[smem:$0x3F9D] =	sst s1;
	(tag) =	ssettag s2;
	_ =	strace s9  }
0x27: {  	s1 =	sld [smem:$0x3FAD]  }
0x28: {  	s2 =	sld [smem:$0x3FAE]  }
0x29: {  	s4 =	sld [smem:$0x3FB0]  }
0x2a: {  	p0 =	seq.s32 s5, $0x0;
	s5 =	sld [smem:$0x3FB1]  }
0x2b: {  	s6 =	sld [smem:$0x3FB2]  }
0x2c: {  	s7 =	sld [smem:$0x3FB3]  }
0x2d: {  	s3 =	simm.s32 $0x108;
	s8 =	sld [smem:$0x3FB4]  }
0x2e: {  	s3 =	simm.s32 @!p0 $0x1082;
	s9 =	sld [smem:$0x3FB5]  }
0x2f: {  	lr =	sadd.s32 s0, s3;
	s0 =	sld [smem:$0x3FAC]  }
0x30: {  	s3 =	sld [smem:$0x3FAF]  }
0x31: {  	[smem:$0x3FB8] =	sst s10  }
0x32: {  	s10 =	sld [smem:$0x3FB6];
	_ =	sdelay $0x3  }
0x33: {  	p0 =	seq.s32 s10, $0x1;
	s10 =	sld [smem:$0x3FB8];
	_ =	sdelay $0x3  }
0x34: {  	[smem:$0x3FB8] =	sst s10  }
0x35: {  	s10 =	sld [smem:$0x3FB7];
	_ =	sdelay $0x3  }
0x36: {  	p1 =	seq.s32 s10, $0x1;
	s10 =	sld [smem:$0x3FB8];
	_ =	sdelay $0x3  }
0x37: {  	[smem:$0x3FB8] =	sst s10  }
0x38: {  	s10 =	sld [smem:$0x3FB9]  }
0x39: {  	_ = 	snop;
	(pc) =	sbr.ind lr, $3  }
0x3a: {  	_ = 	snop  }
0x3b: {  	_ = 	snop  }
0x3c: {  	p2 =	seq.s32 s10, $0x1;
	s10 =	sld [smem:$0x3FB8]  }
0x3d: {  	_ =	shalt  }
0x3e: {  	_ =	shalt  }
0x3f: {  	_ =	shalt  }
0x40: {  	_ =	shalt  }
0x41: {  	_ =	shalt  }
0x42: {  	_ =	shalt  }
0x43: {  	_ =	shalt  }
0x44: {  	_ =	shalt  }
0x45: {  	_ =	shalt  }
0x46: {  	_ =	shalt  }
0x47: {  	_ =	shalt  }
0x48: {  	_ =	shalt  }
0x49: {  	_ =	shalt  }
0x4a: {  	_ =	shalt  }
0x4b: {  	_ =	shalt  }
0x4c: {  	_ =	shalt  }
0x4d: {  	_ =	shalt  }
0x4e: {  	_ =	shalt  }
0x4f: {  	_ =	shalt  }
0x50: {  	_ =	shalt  }
0x51: {  	_ =	shalt  }
0x52: {  	_ =	shalt  }
0x53: {  	_ =	shalt  }
0x54: {  	_ =	shalt  }
0x55: {  	_ =	shalt  }
0x56: {  	_ =	shalt  }
0x57: {  	_ =	shalt  }
0x58: {  	_ =	shalt  }
0x59: {  	_ =	shalt  }
0x5a: {  	_ =	shalt  }
0x5b: {  	_ =	shalt  }
0x5c: {  	_ =	shalt  }
0x5d: {  	_ =	shalt  }
0x5e: {  	_ =	shalt  }
0x5f: {  	_ =	shalt  }
0x60: {  	_ =	shalt  }
0x61: {  	_ =	shalt  }
0x62: {  	_ =	shalt  }
0x63: {  	_ =	shalt  }
0x64: {  	_ =	shalt  }
0x65: {  	_ =	shalt  }
0x66: {  	_ =	shalt  }
0x67: {  	_ =	shalt  }
0x68: {  	_ =	shalt  }
0x69: {  	_ =	shalt  }
0x6a: {  	_ =	shalt  }
0x6b: {  	_ =	shalt  }
0x6c: {  	_ =	shalt  }
0x6d: {  	_ =	shalt  }
0x6e: {  	_ =	shalt  }
0x6f: {  	_ =	shalt  }
0x70: {  	_ =	shalt  }
0x71: {  	_ =	shalt  }
0x72: {  	_ =	shalt  }
0x73: {  	_ =	shalt  }
0x74: {  	_ =	shalt  }
0x75: {  	_ =	shalt  }
0x76: {  	_ =	shalt  }
0x77: {  	_ =	shalt  }
0x78: {  	_ =	shalt  }
0x79: {  	_ =	shalt  }
0x7a: {  	_ =	shalt  }
0x7b: {  	_ =	shalt  }
0x7c: {  	_ =	shalt  }
0x7d: {  	_ =	shalt  }
0x7e: {  	_ =	shalt  }
0x7f: {  	_ =	shalt  }
0x80: {  	_ =	shalt  }
0x81: {  	_ =	shalt  }
0x82: {  	_ =	shalt  }
0x83: {  	_ =	shalt  }
0x84: {  	_ =	shalt  }
0x85: {  	_ =	shalt  }
0x86: {  	_ =	shalt  }
0x87: {  	_ =	shalt  }
.Lfunc_end0:
.L_simem_size_0:
called_computation_lowered:
.L_overlay_start_0:
0x88: {  	s2 =	sld [smem:$0x3FD9]  }
0x89: {  	s3 =	sld [smem:$0x3FFE];
	_ =	sdelay $0x1  }
0x8a: {  	s1 =	srdreg.scid  }
0x8b: {  	s0 =	sand.u32 $0x1, s1  }
0x8c: {  	s17 =	sshll.u32 s0, $0xA;
	s2 =	sadd.s32 s3, s2  }
0x8d: {  	s2 =	sadd.s32 s2, s17  }
0x8e: {  	[smem:$0x3FC4] =	sst s2  }
0x8f: {  	_ = 	snop  }
0x90: {  	s2 =	sld [smem:$0x3FC9]  }
0x91: {  	s18 =	sld [smem:$0x3FD0];
	(tm) =	ssettm $0x1  }
0x92: {  	s4 =	sld [smem:$0x3FFB];
	_ =	sdelay $0x3  }
0x93: {  	_ =	strace s4  }
0x94: {  	s4 =	sld [smem:$0x3FFC];
	_ =	sdelay $0x3  }
0x95: {  	_ =	strace s4  }
0x96: {  	s4 =	sld [smem:$0x3FFD];
	_ =	sdelay $0x3  }
0x97: {  	_ =	strace s4  }
0x98: {  	_ =	strace $0x8FFFFFFF  }
0x99: {  	s19 =	sld [smem:$0x3FDB];
	_ =	sdelay $0x1  }
0x9a: {  	s5 =	simm.s32 $_scs_section_size  }
0x9b: {  	s6 =	simm.s32 $_size__tile_overlayer_lowered;
	s7 =	simm.s32 $_tile_overlayer_lowered  }
0x9c: {  	s22 =	simm.s32 $0x1BFF;
	s21 =	sshll.u32 s7, $0x1;
	s4 =	sadd.s32 s5, s19  }
0x9d: {  	s8 =	simm.s32 $0x0;
	s20 =	sshll.u32 s6, $0x1;
	s6 =	sadd.s32 s21, s4  }
0x9e: {  	[timem:s8], [sflag:s22] =	dma.local [hbm:s6], s20  }
0x9f: {  	_ =	swait.ge [sflag:s22], s20  }
0xa0: {  	s5 =	ssub.s32 $0x0, s20;
	[sflag:s22] =	ssyncset.done $0x0  }
0xa1: {  	[sflag:s22] =	ssyncadd.s32 s5;
	_ =	sdelay $0x1  }
0xa2: {  	s23 =	simm.s32 $0x1B8B  }
0xa3: {  	_ =	swait.ge [sflag:s23], $0x1  }
0xa4: {  	[sflag:s23] =	ssyncset.done $0x0  }
0xa5: {  	s25 =	simm.s32 $0x1B8E;
	s24 =	sld [smem:$0x3FFE];
	[sflag:s23] =	ssyncadd.s32 $0xFFFFFFFF  }
0xa6: {  	s26 =	simm.s32 $execute0_lowered;
	[smem:$0x3FD2] =	sst s25  }
0xa7: {  	s6 =	sshll.u32 s26, $0x1;
	_ =	strace $0x80000046;
	[dreg:$0x1] =	wrdreg $0xFFFFFFFF  }
0xa8: {  	s28 =	simm.s32 $_size_execute0_lowered;
	s4 =	sadd.s32 s4, s6;
	[dreg:$0x0] =	wrdreg $0x0  }
0xa9: {  	s6 =	sshll.u32 s28, $0x1;
	[dreg:$0x2] =	wrdreg s4  }
0xaa: {  	[dreg:$0x3] =	wrdreg s6  }
0xab: {  	[dreg:$0x4] =	wrdreg $0xC0  }
0xac: {  	_ =	task [dreg:s8], $0x5FFFF  }
0xad: {  	[dreg:$0x1] =	wrdreg $0xFFFFFFFF  }
0xae: {  	[dreg:$0x0] =	wrdreg $0x60  }
0xaf: {  	[dreg:$0x2] =	wrdreg s2  }
0xb0: {  	[dreg:$0x3] =	wrdreg s24  }
0xb1: {  	[dreg:$0x4] =	wrdreg s18  }
0xb2: {  	[dreg:$0x5] =	wrdreg $0x104000  }
0xb3: {  	[dreg:$0x6] =	wrdreg $0x9  }
0xb4: {  	_ =	task.clear_ibuf [dreg:s8], $0x7FFFF;
	_ =	strace $0x90000046  }
0xb5: {  	s29 =	simm.s32 $0x9;
	_ =	strace $0x80000048  }
0xb6: {  	_ =	swait.ge [sflag:s29], $0x1  }
0xb7: {  	[sflag:s29] =	ssyncadd.s32 $0xFFFFFFFF  }
0xb8: {  	_ =	strace $0x90000048  }
0xb9: {  	_ =	sfence  }
0xba: {  	s30 =	sld [smem:$0x0];
	_ =	sdelay $0x2  }
0xbb: {  	s31 =	sshll.u32 s1, $0xD;
	s1 =	sshrl.u32 s1, $0x2  }
0xbc: {  	s3 =	sand.u32 $0x4000, s31;
	s1 =	sadd.s32 s1, s30  }
0xbd: {  	s0 =	sor.u32 s3, s0;
	s1 =	sshll.u32 s1, $0x11  }
0xbe: {  	s0 =	sor.u32 s1, s0  }
0xbf: {  	s0 =	sadd.s32 $0x8F2B, s0  }
0xc0: {  	[sflag:s0] =	ssyncadd.remote.s32 $0x1  }
0xc1: {  	_ =	sfence.sel $0xFFFF  }
0xc2: {  	[dreg:$0x0] =	wrdreg $0xFFFFFFFF;
	(pc) =	sbr.abs _section_cstart, $3  }
0xc3: {  	[dreg:$0x1] =	wrdreg $0xFFFFFFFF  }
0xc4: {  	_ =	task.clear_ibuf [dreg:s8], $0x2FFFF;
	_ =	strace $0x9FFFFFFF  }
0xc5: {  	(tm) =	ssettm $0x7FFFFFFF  }
tec
execute0_lowered:
.L_overlay_start_1:
0x0: {  	(tag) =	ssettag $0x1  }
0x1: {  	s0 =	rddreg [dreg:$0x0]  }
0x2: {  	s4 =	rddreg [dreg:$0x1]  }
0x3: {  	s7 =	rddreg [dreg:$0x2]  }
0x4: {  	s2 =	rddreg [dreg:$0x3]  }
0x5: {  	s3 =	srdreg.scid;
	s1 =	stileid.u32;
	s13 =	simm.s32 $0x3  }
0x6: {  	s14 =	simm.s32 $0x1;
	s15 =	simm.s32 $0x80;
	s16 =	simm.s32 $0x200  }
0x7: {  	s17 =	simm.s32 $0x400;
	s18 =	simm.s32 $0x280;
	s19 =	simm.s32 $0x4400  }
0x8: {  	s20 =	simm.s32 $0x300;
	s21 =	simm.s32 $0x8400;
	s22 =	simm.s32 $0x380  }
0x9: {  	s23 =	simm.s32 $0xC400;
	s24 =	simm.s32 $0x2;
	s25 =	simm.s32 $0x0  }
0xa: {  	s5 =	sand.u32 $0x1, s3;
	s3 =	simm.s32 $0x0;
	s6 =	smul.u32 $0xA80, s1  }
0xb: {  	s10 =	smul.u32 $0x15000, s1;
	s26 =	sshll.u32 s1, $0xA;
	s29 =	sshll.u32 s1, $0x6  }
0xc: {  	s8 =	ssub.s32 $0x2, s5;
	[smem:$0x7FF] =	sst s3;
	s5 =	sshll.u32 s5, $0x9  }
0xd: {  	s9 =	sshrl.u32 s8, $0x1;
	_ =	strace $0x80000047;
	s4 =	sadd.s32 s6, s4  }
0xe: {  	s28 =	sshrl.u32 s10, $0x2;
	s5 =	sor.u32 s5, s26;
	s11 =	ssub.s32 s8, s9  }
0xf: {  	s12 =	sadd.s32 s28, s2;
	s4 =	sadd.s32 $0xC00, s4;
	s30 =	sshrl.u32 s5, $0x3  }
0x10: {  	s31 =	sshll.u32 s5, $0x4;
	s5 =	sor.u32 $0x1C01, s29;
	s6 =	sadd.s32 s0, s30  }
0x11: {  	s7 =	sadd.s32 s7, s31;
	s11 =	smax.u32 s11, $0x1;
	s12 =	sshrl.u32 s12, $0x3  }
0x12: {  	v0 =	vimm.s32 $0x0;
	v1 =	vimm.s32 $0xFFFFFFF6;
	s8 =	sadd.s32 $0x800, s7;
	s9 =	sadd.s32 $0x1000, s7;
	s10 =	sadd.s32 $0x1800, s7  }
.LBB2_1:
0x13: {  	[spmem:s12], [sflag:s5] =	dma.local [hbm:s4], $0xA80  }
0x14: {  	[tilespmem:s3], [sflag:$0x3] =	stream.linear.gather [hbm4b:s6+s3], $0x200, $0x38;
	[tilespmem:$0x15800] =	vst v63  }
0x15: {  	_ =	swait.ge [sflag:s13], $0x200  }
0x16: {  	[sflag:s13] =	ssyncset.done $0x0  }
0x17: {  	s26 =	simm.s32 $0x0;
	[sflag:s13] =	ssyncadd.s32 $0xFFFFFE00  }
0x18: {  	v2 =	vld [tilespmem:s26+$0x0];
	_ =	sdelay $0x4  }
0x19: {  	v3 =	vcvt.s32.f32 v2;
	_ =	sdelay $0x1  }
0x1a: {  	v3 =	vmul.f32 $1.157407410e-05, v3;
	_ =	sdelay $0x1  }
0x1b: {  	v3 =	vtrunc.f32 v3  }
0x1c: {  	v3 =	vcvt.f32.s32 v3;
	_ =	sdelay $0x1  }
0x1d: {  	v4 =	vmul.u32 $0xFFFEAE80, v3;
	_ =	sdelay $0x1  }
0x1e: {  	v2 =	vadd.s32 v2, v4  }
0x1f: {  	vm0 =	vgt.s32 v2, $0x1517F;
	v2 =	vshra.s32 v2, $0x1F  }
0x20: {  	v4 =	vsel vm0, $0x1, v0;
	v2 =	vadd.s32 v3, v2  }
0x21: {  	v4 =	vadd.s32 v4, v2  }
0x22: {  	s28 =	simm.s32 $0x10;
	v2 =	vcvt.s32.f32 v4  }
0x23: {  	v5 =	vld [tilespmem:s28+$0x0]  }
0x24: {  	v3 =	vadd.f32 $7.194680000e+05, v2;
	_ =	sdelay $0x1  }
0x25: {  	v6 =	vadd.f32 $5.000000000e-01, v3;
	_ =	sdelay $0x1  }
0x26: {  	v7 =	vcvt.s32.f32 v5;
	v6 =	vmul.f32 $6.844767540e-06, v6;
	_ =	sdelay $0x1  }
0x27: {  	v7 =	vmul.f32 $1.157407410e-05, v7;
	v6 =	vtrunc.f32 v6  }
0x28: {  	v6 =	vcvt.f32.s32 v6  }
0x29: {  	v7 =	vtrunc.f32 v7  }
0x2a: {  	v7 =	vcvt.f32.s32 v7;
	v6 =	vcvt.s32.f32 v6;
	_ =	sdelay $0x1  }
0x2b: {  	v8 =	vmul.u32 $0xFFFEAE80, v7;
	v6 =	vmul.f32 $-1.460970000e+05, v6;
	_ =	sdelay $0x1  }
0x2c: {  	v9 =	vadd.f32 v6, v3;
	v3 =	vadd.s32 v5, v8  }
0x2d: {  	vm12 =	vgt.s32 v3, $0x1517F;
	v3 =	vshra.s32 v3, $0x1F  }
0x2e: {  	v5 =	vadd.f32 $5.000000000e-01, v9;
	v6 =	vsel vm12, $0x1, v0;
	v3 =	vadd.s32 v7, v3  }
0x2f: {  	v8 =	vadd.s32 v6, v3  }
0x30: {  	v7 =	vmul.f32 $6.849315250e-04, v5;
	v3 =	vcvt.s32.f32 v8  }
0x31: {  	s29 =	simm.s32 $0x20;
	v6 =	vmul.f32 $2.737925750e-05, v5  }
0x32: {  	v11 =	vld [tilespmem:s29+$0x0];
	v5 =	vmul.f32 $6.844814380e-06, v5;
	v7 =	vtrunc.f32 v7;
	v10 =	vadd.f32 $7.194680000e+05, v3  }
0x33: {  	v7 =	vcvt.f32.s32 v7  }
0x34: {  	v6 =	vtrunc.f32 v6;
	v5 =	vtrunc.f32 v5;
	v12 =	vadd.f32 $5.000000000e-01, v10  }
0x35: {  	v6 =	vcvt.f32.s32 v6;
	v7 =	vcvt.s32.f32 v7  }
0x36: {  	v5 =	vcvt.f32.s32 v5;
	v12 =	vmul.f32 $6.844767540e-06, v12  }
0x37: {  	v13 =	vcvt.s32.f32 v11;
	v6 =	vcvt.s32.f32 v6;
	v7 =	vsub.f32 v9, v7  }
0x38: {  	v2 =	vadd.f32 $3.000000000e+00, v2;
	v5 =	vcvt.s32.f32 v5;
	v12 =	vtrunc.f32 v12  }
0x39: {  	v6 =	vadd.f32 v6, v7;
	v7 =	vcvt.f32.s32 v12;
	v12 =	vmul.f32 $1.157407410e-05, v13  }
0x3a: {  	v2 =	vadd.f32 $5.000000000e-01, v2  }
0x3b: {  	v5 =	vsub.f32 v6, v5;
	v6 =	vcvt.s32.f32 v7;
	v7 =	vtrunc.f32 v12  }
0x3c: {  	v3 =	vadd.f32 $3.000000000e+00, v3;
	v7 =	vcvt.f32.s32 v7  }
0x3d: {  	v2 =	vmul.f32 $1.428571490e-01, v2;
	v5 =	vadd.f32 $5.000000000e-01, v5;
	v6 =	vmul.f32 $-1.460970000e+05, v6  }
0x3e: {  	v12 =	vadd.f32 $5.000000000e-01, v3;
	v13 =	vmul.u32 $0xFFFEAE80, v7  }
0x3f: {  	v2 =	vtrunc.f32 v2;
	v5 =	vmul.f32 $2.739726100e-03, v5;
	v3 =	vadd.f32 v6, v10  }
0x40: {  	v6 =	vcvt.f32.s32 v2;
	v2 =	vmul.f32 $1.428571490e-01, v12;
	v10 =	vadd.s32 v11, v13  }
0x41: {  	v11 =	vadd.f32 $5.000000000e-01, v3;
	vm13 =	vgt.s32 v10, $0x1517F;
	v10 =	vshra.s32 v10, $0x1F  }
0x42: {  	v12 =	vtrunc.f32 v2;
	v5 =	vtrunc.f32 v5;
	v2 =	vsel vm13, $0x1, v0  }
0x43: {  	v7 =	vadd.s32 v7, v10;
	v5 =	vcvt.f32.s32 v5;
	v10 =	vmul.f32 $6.849315250e-04, v11  }
0x44: {  	v13 =	vmul.f32 $2.737925750e-05, v11;
	v2 =	vadd.s32 v2, v7;
	v11 =	vmul.f32 $6.844814380e-06, v11  }
0x45: {  	v7 =	vcvt.s32.f32 v2;
	v5 =	vcvt.s32.f32 v5  }
0x46: {  	v10 =	vtrunc.f32 v10;
	v13 =	vtrunc.f32 v13  }
0x47: {  	v11 =	vtrunc.f32 v11;
	v10 =	vcvt.f32.s32 v10;
	v14 =	vadd.f32 $7.194680000e+05, v7  }
0x48: {  	v13 =	vcvt.f32.s32 v13;
	v11 =	vcvt.f32.s32 v11;
	v16 =	vadd.f32 $5.000000000e-01, v5  }
0x49: {  	v5 =	vmul.f32 $3.650000000e+02, v5;
	v15 =	vadd.f32 $5.000000000e-01, v14;
	v10 =	vcvt.s32.f32 v10  }
0x4a: {  	v13 =	vcvt.s32.f32 v13;
	v17 =	vmul.f32 $2.500000000e-01, v16  }
0x4b: {  	v6 =	vmul.u32 $0xFFFFFFF9, v6;
	v11 =	vcvt.s32.f32 v11;
	v15 =	vmul.f32 $6.844767540e-06, v15  }
0x4c: {  	v16 =	vmul.f32 $9.999999770e-03, v16;
	v10 =	vsub.f32 v3, v10;
	v17 =	vtrunc.f32 v17  }
0x4d: {  	v4 =	vadd.s32 v6, v4;
	v6 =	vcvt.f32.s32 v17;
	v15 =	vtrunc.f32 v15  }
0x4e: {  	v10 =	vadd.f32 v13, v10;
	v13 =	vtrunc.f32 v16;
	v15 =	vcvt.f32.s32 v15  }
0x4f: {  	s30 =	simm.s32 $0x30;
	v7 =	vadd.f32 $3.000000000e+00, v7;
	v17 =	vadd.s32 $0x3, v4;
	v13 =	vcvt.f32.s32 v13  }
0x50: {  	v16 =	vld [tilespmem:s30+$0x0];
	v6 =	vcvt.s32.f32 v6;
	v4 =	vsub.f32 v10, v11;
	v15 =	vcvt.s32.f32 v15  }
0x51: {  	v7 =	vadd.f32 $5.000000000e-01, v7;
	v11 =	vcvt.s32.f32 v13  }
0x52: {  	v5 =	vadd.f32 v6, v5;
	v6 =	vadd.f32 $5.000000000e-01, v4;
	v10 =	vmul.f32 $-1.460970000e+05, v15  }
0x53: {  	v7 =	vmul.f32 $1.428571490e-01, v7  }
0x54: {  	v5 =	vsub.f32 v11, v5;
	v11 =	vmul.f32 $2.739726100e-03, v6;
	v4 =	vadd.f32 v10, v14  }
0x55: {  	v10 =	vcvt.f32.s32 v12;
	v12 =	vcvt.s32.f32 v16  }
0x56: {  	v6 =	vtrunc.f32 v7;
	v14 =	vadd.f32 v5, v9;
	v13 =	vadd.f32 $5.000000000e-01, v4  }
0x57: {  	v11 =	vtrunc.f32 v11;
	v10 =	vmul.u32 $0xFFFFFFF9, v10;
	v12 =	vmul.f32 $1.157407410e-05, v12  }
0x58: {  	v7 =	vmul.f32 $6.849315250e-04, v13;
	v9 =	vmul.f32 $2.737925750e-05, v13  }
0x59: {  	v8 =	vadd.s32 v10, v8;
	v10 =	vtrunc.f32 v12;
	v12 =	vmul.f32 $5.000000000e+00, v14  }
0x5a: {  	v5 =	vmul.u32 $0x174, v17;
	v10 =	vcvt.f32.s32 v10;
	v7 =	vtrunc.f32 v7  }
0x5b: {  	v9 =	vtrunc.f32 v9;
	v12 =	vadd.f32 $2.000000000e+00, v12;
	v7 =	vcvt.f32.s32 v7  }
0x5c: {  	v13 =	vmul.f32 $6.844814380e-06, v13;
	v15 =	vmul.u32 $0xFFFEAE80, v10;
	v9 =	vcvt.f32.s32 v9  }
0x5d: {  	v8 =	vadd.s32 $0x3, v8;
	v17 =	vcvt.s32.f32 v7;
	v7 =	vadd.f32 $5.000000000e-01, v12  }
0x5e: {  	v12 =	vadd.s32 v16, v15;
	v15 =	vcvt.s32.f32 v9;
	v9 =	vtrunc.f32 v13  }
0x5f: {  	vm14 =	vgt.s32 v12, $0x1517F;
	v12 =	vshra.s32 v12, $0x1F;
	v13 =	vmul.f32 $6.535947790e-03, v7  }
0x60: {  	v7 =	vsel vm14, $0x1, v0;
	v10 =	vadd.s32 v10, v12;
	v12 =	vcvt.f32.s32 v9  }
0x61: {  	v7 =	vadd.s32 v7, v10;
	v10 =	vsub.f32 v4, v17;
	v13 =	vtrunc.f32 v13  }
0x62: {  	v8 =	vmul.u32 $0x174, v8;
	v9 =	vcvt.s32.f32 v7;
	v13 =	vcvt.f32.s32 v13  }
0x63: {  	v12 =	vcvt.s32.f32 v12;
	v16 =	vadd.f32 v15, v10;
	v10 =	vcvt.f32.s32 v11  }
0x64: {  	v11 =	vtrunc.f32 v14;
	v15 =	vadd.f32 $7.194680000e+05, v9;
	v14 =	vcvt.s32.f32 v13  }
0x65: {  	v17 =	vcvt.s32.f32 v10;
	v10 =	vcvt.f32.s32 v11;
	vm15 =	vlt.s32 v13, $0xA  }
0x66: {  	v12 =	vsub.f32 v16, v12;
	v11 =	vadd.f32 $5.000000000e-01, v15;
	v18 =	vsel vm15, $0x2, v1  }
0x67: {  	v16 =	vmul.f32 $1.530000000e+02, v14;
	v14 =	vmul.f32 $3.650000000e+02, v17;
	v17 =	vadd.f32 $5.000000000e-01, v17  }
0x68: {  	v12 =	vadd.f32 $5.000000000e-01, v12;
	v21 =	vadd.s32 v13, v18;
	v11 =	vmul.f32 $6.844767540e-06, v11  }
0x69: {  	v19 =	vadd.f32 $2.000000000e+00, v16;
	v20 =	vmul.f32 $2.500000000e-01, v17;
	v16 =	vmul.f32 $9.999999770e-03, v17  }
0x6a: {  	v17 =	vtrunc.f32 v11;
	v11 =	vmul.f32 $2.739726100e-03, v12;
	v12 =	vmul.u32 $0x1F, v21  }
0x6b: {  	s0 =	simm.s32 $0x100;
	v13 =	vadd.f32 $5.000000000e-01, v19;
	v18 =	vcvt.f32.s32 v17;
	v17 =	vtrunc.f32 v20  }
.LBB2_2:
0x6c: {  	s31 =	sshra.s32 s0, $0x2;
	p0 =	sne.s32 s0, $0x1C0;
	s0 =	sadd.s32 $0x40, s0;
	v9 =	vadd.f32 $3.000000000e+00, v9;
	v17 =	vcvt.f32.s32 v17;
	v16 =	vtrunc.f32 v16  }
0x6d: {  	v19 =	vld [tilespmem:s31+$0x0];
	v18 =	vcvt.s32.f32 v18;
	v16 =	vcvt.f32.s32 v16  }
0x6e: {  	v13 =	vmul.f32 $2.000000030e-01, v13;
	v10 =	vadd.s32 v10, v5;
	v5 =	vmovc v8;
	v17 =	vcvt.s32.f32 v17  }
0x6f: {  	v10 =	vadd.s32 v12, v10;
	v8 =	vmul.f32 $-1.460970000e+05, v18;
	v16 =	vcvt.s32.f32 v16  }
0x70: {  	v9 =	vadd.f32 $5.000000000e-01, v9;
	v13 =	vtrunc.f32 v13;
	v12 =	vadd.f32 v17, v14  }
0x71: {  	v6 =	vcvt.f32.s32 v6;
	v13 =	vcvt.f32.s32 v13;
	v8 =	vadd.f32 v8, v15  }
0x72: {  	v9 =	vmul.f32 $1.428571490e-01, v9;
	v14 =	vcvt.s32.f32 v19;
	v12 =	vsub.f32 v16, v12  }
0x73: {  	v10 =	vsub.s32 v10, v13;
	v16 =	vmul.u32 $0xFFFFFFF9, v6;
	v15 =	vadd.f32 $5.000000000e-01, v8  }
0x74: {  	v6 =	vtrunc.f32 v9;
	v13 =	vmul.f32 $1.157407410e-05, v14;
	v12 =	vadd.f32 v12, v3;
	[tilespmem:s26+$0x200] =	vst v10;
	v3 =	vmovc v4;
	v4 =	vmovc v8;
	s26 =	smov.u32 s28;
	s28 =	smov.u32 s29;
	s29 =	smov.u32 s30  }
0x75: {  	v10 =	vadd.s32 v16, v2;
	v2 =	vmovc v7;
	s30 =	smov.u32 s31;
	v8 =	vmul.f32 $6.849315250e-04, v15;
	v9 =	vmul.f32 $2.737925750e-05, v15  }
0x76: {  	v10 =	vadd.s32 $0x3, v10;
	v7 =	vtrunc.f32 v13;
	v13 =	vmul.f32 $5.000000000e+00, v12  }
0x77: {  	v7 =	vcvt.f32.s32 v7;
	v14 =	vtrunc.f32 v8;
	v8 =	vmul.u32 $0x174, v10  }
0x78: {  	v9 =	vtrunc.f32 v9;
	v10 =	vcvt.f32.s32 v14;
	v13 =	vadd.f32 $2.000000000e+00, v13  }
0x79: {  	v15 =	vmul.f32 $6.844814380e-06, v15;
	v9 =	vcvt.f32.s32 v9;
	v14 =	vmul.u32 $0xFFFEAE80, v7  }
0x7a: {  	v11 =	vtrunc.f32 v11;
	v10 =	vcvt.s32.f32 v10;
	v13 =	vadd.f32 $5.000000000e-01, v13  }
0x7b: {  	v16 =	vcvt.s32.f32 v9;
	v9 =	vtrunc.f32 v15;
	v14 =	vadd.s32 v19, v14  }
0x7c: {  	vm0 =	vgt.s32 v14, $0x1517F;
	v14 =	vshra.s32 v14, $0x1F;
	v13 =	vmul.f32 $6.535947790e-03, v13  }
0x7d: {  	v15 =	vsel vm0, $0x1, v0;
	v7 =	vadd.s32 v7, v14;
	v14 =	vcvt.f32.s32 v9  }
0x7e: {  	v10 =	vsub.f32 v4, v10;
	v7 =	vadd.s32 v15, v7;
	v13 =	vtrunc.f32 v13  }
0x7f: {  	v9 =	vcvt.s32.f32 v7;
	v13 =	vcvt.f32.s32 v13  }
0x80: {  	v16 =	vadd.f32 v16, v10;
	v10 =	vcvt.f32.s32 v11;
	v11 =	vtrunc.f32 v12  }
0x81: {  	v12 =	vcvt.s32.f32 v14;
	v15 =	vadd.f32 $7.194680000e+05, v9;
	v14 =	vcvt.s32.f32 v13  }
0x82: {  	v17 =	vcvt.s32.f32 v10;
	v10 =	vcvt.f32.s32 v11;
	vm0 =	vlt.s32 v13, $0xA  }
0x83: {  	v12 =	vsub.f32 v16, v12;
	v11 =	vadd.f32 $5.000000000e-01, v15;
	v16 =	vmul.f32 $1.530000000e+02, v14  }
.Ltmp0:
0x84: {  	v18 =	vsel vm0, $0x2, v1;
	v14 =	vmul.f32 $3.650000000e+02, v17;
	v17 =	vadd.f32 $5.000000000e-01, v17;
	(pc) =	sbr.rel @p0 .LBB2_2-.Ltmp0, $4  }
0x85: {  	v12 =	vadd.f32 $5.000000000e-01, v12;
	v11 =	vmul.f32 $6.844767540e-06, v11;
	v19 =	vadd.f32 $2.000000000e+00, v16  }
0x86: {  	v21 =	vadd.s32 v13, v18;
	v20 =	vmul.f32 $2.500000000e-01, v17;
	v16 =	vmul.f32 $9.999999770e-03, v17  }
0x87: {  	v17 =	vtrunc.f32 v11;
	v11 =	vmul.f32 $2.739726100e-03, v12;
	v13 =	vadd.f32 $5.000000000e-01, v19  }
0x88: {  	v12 =	vmul.u32 $0x1F, v21;
	v18 =	vcvt.f32.s32 v17;
	v17 =	vtrunc.f32 v20  }
0x89: {  	_ = 	snop  }
0x8a: {  	v18 =	vcvt.s32.f32 v18;
	_ =	sdelay $0x1  }
0x8b: {  	v18 =	vmul.f32 $-1.460970000e+05, v18;
	_ =	sdelay $0x1  }
0x8c: {  	v15 =	vadd.f32 v18, v15;
	_ =	sdelay $0x1  }
0x8d: {  	v18 =	vadd.f32 $5.000000000e-01, v15;
	_ =	sdelay $0x1  }
0x8e: {  	v19 =	vmul.f32 $6.849315250e-04, v18;
	_ =	sdelay $0x1  }
0x8f: {  	v20 =	vmul.f32 $2.737925750e-05, v18;
	v19 =	vtrunc.f32 v19  }
0x90: {  	v19 =	vcvt.f32.s32 v19  }
0x91: {  	v18 =	vmul.f32 $6.844814380e-06, v18;
	v20 =	vtrunc.f32 v20  }
0x92: {  	v20 =	vcvt.f32.s32 v20;
	v19 =	vcvt.s32.f32 v19  }
0x93: {  	v18 =	vtrunc.f32 v18  }
0x94: {  	v18 =	vcvt.f32.s32 v18;
	v20 =	vcvt.s32.f32 v20;
	v19 =	vsub.f32 v15, v19;
	_ =	sdelay $0x1  }
0x95: {  	v18 =	vcvt.s32.f32 v18;
	v19 =	vadd.f32 v20, v19;
	_ =	sdelay $0x1  }
0x96: {  	v18 =	vsub.f32 v19, v18  }
0x97: {  	v17 =	vcvt.f32.s32 v17  }
0x98: {  	v16 =	vtrunc.f32 v16;
	v11 =	vtrunc.f32 v11;
	v18 =	vadd.f32 $5.000000000e-01, v18  }
0x99: {  	v16 =	vcvt.f32.s32 v16;
	v17 =	vcvt.s32.f32 v17  }
0x9a: {  	v11 =	vcvt.f32.s32 v11;
	v18 =	vmul.f32 $2.739726100e-03, v18  }
0x9b: {  	v16 =	vcvt.s32.f32 v16;
	v14 =	vadd.f32 v17, v14  }
0x9c: {  	v11 =	vcvt.s32.f32 v11;
	v45 =	vtrunc.f32 v18  }
0x9d: {  	v14 =	vsub.f32 v16, v14;
	v46 =	vcvt.f32.s32 v45  }
0x9e: {  	v47 =	vadd.f32 $5.000000000e-01, v11  }
0x9f: {  	v3 =	vadd.f32 v14, v3;
	v14 =	vcvt.s32.f32 v46  }
0xa0: {  	v48 =	vmul.f32 $2.500000000e-01, v47;
	v17 =	vmul.f32 $9.999999770e-03, v47  }
0xa1: {  	v11 =	vmul.f32 $3.650000000e+02, v11;
	v50 =	vadd.f32 $5.000000000e-01, v14  }
0xa2: {  	v16 =	vtrunc.f32 v48;
	v17 =	vtrunc.f32 v17  }
0xa3: {  	v49 =	vmul.f32 $5.000000000e+00, v3;
	v20 =	vmul.f32 $2.500000000e-01, v50  }
0xa4: {  	v16 =	vcvt.f32.s32 v16;
	v17 =	vcvt.f32.s32 v17  }
0xa5: {  	v19 =	vmul.f32 $9.999999770e-03, v50;
	v20 =	vtrunc.f32 v20  }
0xa6: {  	v16 =	vcvt.s32.f32 v16;
	v18 =	vadd.f32 $2.000000000e+00, v49;
	v20 =	vcvt.f32.s32 v20  }
0xa7: {  	v14 =	vmul.f32 $3.650000000e+02, v14;
	v19 =	vtrunc.f32 v19  }
0xa8: {  	v18 =	vadd.f32 $5.000000000e-01, v18;
	v19 =	vcvt.f32.s32 v19;
	v20 =	vcvt.s32.f32 v20  }
0xa9: {  	v9 =	vadd.f32 $3.000000000e+00, v9;
	v51 =	vcvt.s32.f32 v17;
	v11 =	vadd.f32 v16, v11  }
0xaa: {  	v52 =	vmul.f32 $6.535947790e-03, v18;
	v53 =	vcvt.s32.f32 v19;
	v14 =	vadd.f32 v20, v14  }
0xab: {  	v13 =	vmul.f32 $2.000000030e-01, v13;
	v5 =	vadd.s32 v10, v5;
	v11 =	vsub.f32 v51, v11  }
0xac: {  	v6 =	vcvt.f32.s32 v6;
	v54 =	vtrunc.f32 v52;
	v14 =	vsub.f32 v53, v14  }
0xad: {  	v5 =	vadd.s32 v12, v5;
	v4 =	vadd.f32 v11, v4;
	v55 =	vcvt.f32.s32 v54  }
0xae: {  	v56 =	vtrunc.f32 v13;
	v9 =	vadd.f32 $5.000000000e-01, v9;
	v13 =	vadd.f32 v14, v15  }
0xaf: {  	v6 =	vmul.u32 $0xFFFFFFF9, v6;
	v12 =	vcvt.s32.f32 v55;
	v14 =	vmul.f32 $5.000000000e+00, v4  }
0xb0: {  	v9 =	vmul.f32 $1.428571490e-01, v9;
	v15 =	vmul.f32 $5.000000000e+00, v13  }
0xb1: {  	v2 =	vadd.s32 v6, v2;
	v12 =	vmul.f32 $1.530000000e+02, v12;
	v14 =	vadd.f32 $2.000000000e+00, v14  }
0xb2: {  	v2 =	vadd.s32 $0x3, v2;
	v11 =	vcvt.f32.s32 v56;
	v57 =	vadd.f32 $2.000000000e+00, v15  }
0xb3: {  	v9 =	vtrunc.f32 v9;
	v58 =	vadd.f32 $2.000000000e+00, v12;
	v12 =	vadd.f32 $5.000000000e-01, v14  }
0xb4: {  	v9 =	vcvt.f32.s32 v9;
	v5 =	vsub.s32 v5, v11;
	v11 =	vadd.f32 $5.000000000e-01, v57  }
0xb5: {  	v2 =	vmul.u32 $0x174, v2;
	v12 =	vmul.f32 $6.535947790e-03, v12  }
0xb6: {  	v9 =	vmul.u32 $0xFFFFFFF9, v9;
	v3 =	vtrunc.f32 v3;
	v11 =	vmul.f32 $6.535947790e-03, v11  }
0xb7: {  	v3 =	vcvt.f32.s32 v3;
	v6 =	vadd.f32 $5.000000000e-01, v58;
	v12 =	vtrunc.f32 v12  }
0xb8: {  	v60 =	vadd.s32 v9, v7;
	v12 =	vcvt.f32.s32 v12;
	v11 =	vtrunc.f32 v11  }
0xb9: {  	vm0 =	vlt.s32 v55, $0xA;
	v6 =	vmul.f32 $2.000000030e-01, v6;
	v11 =	vcvt.f32.s32 v11  }
0xba: {  	v4 =	vtrunc.f32 v4;
	v14 =	vsel vm0, $0x2, v1;
	v59 =	vcvt.s32.f32 v12  }
0xbb: {  	v6 =	vtrunc.f32 v6;
	v10 =	vadd.s32 v55, v14;
	v14 =	vcvt.s32.f32 v11  }
0xbc: {  	v3 =	vadd.s32 v3, v8;
	v4 =	vcvt.f32.s32 v4;
	v8 =	vmul.f32 $1.530000000e+02, v59  }
0xbd: {  	v6 =	vcvt.f32.s32 v6;
	v10 =	vmul.u32 $0x1F, v10;
	v61 =	vmul.f32 $1.530000000e+02, v14  }
0xbe: {  	v2 =	vadd.s32 v4, v2;
	v4 =	vtrunc.f32 v13;
	v8 =	vadd.f32 $2.000000000e+00, v8  }
0xbf: {  	v4 =	vcvt.f32.s32 v4;
	v3 =	vadd.s32 v10, v3;
	v7 =	vadd.f32 $2.000000000e+00, v61  }
0xc0: {  	v3 =	vsub.s32 v3, v6;
	v6 =	vadd.s32 $0x3, v60;
	v8 =	vadd.f32 $5.000000000e-01, v8  }
0xc1: {  	v6 =	vmul.u32 $0x174, v6;
	vm13 =	vlt.s32 v12, $0xA;
	v7 =	vadd.f32 $5.000000000e-01, v7  }
0xc2: {  	v62 =	vsel vm13, $0x2, v1;
	vm14 =	vlt.s32 v11, $0xA;
	v8 =	vmul.f32 $2.000000030e-01, v8  }
0xc3: {  	v9 =	vadd.s32 v12, v62;
	v63 =	vsel vm14, $0x2, v1;
	v7 =	vmul.f32 $2.000000030e-01, v7  }
0xc4: {  	v9 =	vmul.u32 $0x1F, v9;
	v10 =	vadd.s32 v11, v63;
	v8 =	vtrunc.f32 v8  }
0xc5: {  	v10 =	vmul.u32 $0x1F, v10;
	v8 =	vcvt.f32.s32 v8;
	v7 =	vtrunc.f32 v7  }
0xc6: {  	[tilespmem:s26+$0x200] =	vst v5;
	v4 =	vadd.s32 v4, v6;
	v2 =	vadd.s32 v9, v2;
	v5 =	vcvt.f32.s32 v7  }
0xc7: {  	[tilespmem:s28+$0x200] =	vst v3;
	v3 =	vadd.s32 v10, v4;
	v2 =	vsub.s32 v2, v8  }
0xc8: {  	[tilespmem:s29+$0x200] =	vst v2;
	v2 =	vsub.s32 v3, v5  }
0xc9: {  	s26 =	simm.s32 $0x0;
	[tilespmem:s30+$0x200] =	vst v2  }
0xca: {  	v2 =	vld [tilespmem:s26+$0x80];
	_ =	sdelay $0x4  }
0xcb: {  	v3 =	vcvt.s32.f32 v2;
	_ =	sdelay $0x1  }
0xcc: {  	v3 =	vmul.f32 $1.157407410e-05, v3;
	_ =	sdelay $0x1  }
0xcd: {  	v3 =	vtrunc.f32 v3  }
0xce: {  	v3 =	vcvt.f32.s32 v3;
	_ =	sdelay $0x1  }
0xcf: {  	v4 =	vmul.u32 $0xFFFEAE80, v3;
	_ =	sdelay $0x1  }
0xd0: {  	v2 =	vadd.s32 v2, v4  }
0xd1: {  	vm15 =	vgt.s32 v2, $0x1517F;
	v2 =	vshra.s32 v2, $0x1F  }
0xd2: {  	v4 =	vsel vm15, $0x1, v0;
	v2 =	vadd.s32 v3, v2  }
0xd3: {  	v14 =	vadd.s32 v4, v2  }
0xd4: {  	v2 =	vcvt.s32.f32 v14;
	_ =	sdelay $0x1  }
0xd5: {  	v12 =	vadd.f32 $7.194680000e+05, v2;
	_ =	sdelay $0x1  }
0xd6: {  	p1 =	por $0x1, $0x1;
	v3 =	vadd.f32 $5.000000000e-01, v12  }
.Ltmp1:
0xd7: {  	_ = 	snop;
	(pc) =	sbr.rel @!p1 .LBB2_4-.Ltmp1, $4  }
0xd8: {  	v3 =	vmul.f32 $6.844767540e-06, v3  }
0xd9: {  	v2 =	vadd.f32 $3.000000000e+00, v2  }
0xda: {  	v4 =	vtrunc.f32 v3  }
0xdb: {  	p2 =	por $0x0, $0x0;
	p3 =	por $0x0, $0x0;
	p0 =	por $0x0, $0x0;
	v3 =	vadd.f32 $5.000000000e-01, v2;
	v23 =	vcvt.f32.s32 v4  }
0xdc: {  	s31 =	simm.s32 $0x10  }
0xdd: {  	v4 =	vld [tilespmem:s31+$0x80];
	_ =	sdelay $0x3  }
0xde: {  	v2 =	vcvt.s32.f32 v23  }
0xdf: {  	v5 =	vcvt.s32.f32 v4  }
0xe0: {  	v2 =	vmul.f32 $-1.460970000e+05, v2  }
0xe1: {  	v5 =	vmul.f32 $1.157407410e-05, v5  }
0xe2: {  	v2 =	vadd.f32 v2, v12  }
0xe3: {  	v5 =	vtrunc.f32 v5  }
0xe4: {  	v6 =	vadd.f32 $5.000000000e-01, v2;
	v5 =	vcvt.f32.s32 v5;
	_ =	sdelay $0x1  }
0xe5: {  	v7 =	vmul.f32 $6.849315250e-04, v6;
	v8 =	vmul.u32 $0xFFFEAE80, v5  }
0xe6: {  	v9 =	vmul.f32 $6.844814380e-06, v6  }
0xe7: {  	v6 =	vmul.f32 $2.737925750e-05, v6;
	v7 =	vtrunc.f32 v7;
	v4 =	vadd.s32 v4, v8  }
0xe8: {  	v7 =	vcvt.f32.s32 v7;
	vm0 =	vgt.s32 v4, $0x1517F;
	v4 =	vshra.s32 v4, $0x1F  }
0xe9: {  	v6 =	vtrunc.f32 v6;
	v8 =	vsel vm0, $0x1, v0;
	v4 =	vadd.s32 v5, v4  }
0xea: {  	v5 =	vcvt.f32.s32 v6;
	v6 =	vcvt.s32.f32 v7;
	v4 =	vadd.s32 v8, v4  }
0xeb: {  	v7 =	vtrunc.f32 v9;
	v8 =	vcvt.s32.f32 v4  }
0xec: {  	v7 =	vcvt.f32.s32 v7;
	v6 =	vsub.f32 v2, v6;
	v5 =	vcvt.s32.f32 v5  }
0xed: {  	v12 =	vadd.f32 $7.194680000e+05, v8  }
0xee: {  	v5 =	vadd.f32 v5, v6;
	v6 =	vcvt.s32.f32 v7  }
0xef: {  	p4 =	por $0x1, $0x1;
	v7 =	vadd.f32 $5.000000000e-01, v12  }
.Ltmp2:
0xf0: {  	v5 =	vsub.f32 v5, v6;
	(pc) =	sbr.rel @!p4 .LBB2_6-.Ltmp2, $4  }
0xf1: {  	v3 =	vmul.f32 $1.428571490e-01, v3;
	v6 =	vmul.f32 $6.844767540e-06, v7  }
0xf2: {  	v8 =	vadd.f32 $3.000000000e+00, v8;
	v5 =	vadd.f32 $5.000000000e-01, v5  }
0xf3: {  	v15 =	vtrunc.f32 v3;
	v6 =	vtrunc.f32 v6  }
0xf4: {  	p2 =	por $0x1, $0x1;
	v3 =	vadd.f32 $5.000000000e-01, v8;
	v7 =	vmul.f32 $2.739726100e-03, v5;
	v23 =	vcvt.f32.s32 v6  }
0xf5: {  	s29 =	simm.s32 $0x20  }
0xf6: {  	v6 =	vld [tilespmem:s29+$0x80];
	_ =	sdelay $0x3  }
0xf7: {  	v5 =	vcvt.s32.f32 v23  }
0xf8: {  	v8 =	vcvt.s32.f32 v6  }
0xf9: {  	v5 =	vmul.f32 $-1.460970000e+05, v5  }
0xfa: {  	v8 =	vmul.f32 $1.157407410e-05, v8  }
0xfb: {  	v5 =	vadd.f32 v5, v12  }
0xfc: {  	v8 =	vtrunc.f32 v8  }
0xfd: {  	v9 =	vadd.f32 $5.000000000e-01, v5;
	v8 =	vcvt.f32.s32 v8;
	_ =	sdelay $0x1  }
0xfe: {  	v11 =	vmul.f32 $6.849315250e-04, v9;
	v10 =	vmul.u32 $0xFFFEAE80, v8  }
0xff: {  	v12 =	vmul.f32 $6.844814380e-06, v9;
	v9 =	vmul.f32 $2.737925750e-05, v9  }
0x100: {  	v6 =	vadd.s32 v6, v10;
	v10 =	vtrunc.f32 v11  }
0x101: {  	v9 =	vtrunc.f32 v9;
	v11 =	vshra.s32 v6, $0x1F;
	v10 =	vcvt.f32.s32 v10  }
0x102: {  	vm0 =	vgt.s32 v6, $0x1517F;
	v6 =	vcvt.f32.s32 v9;
	v8 =	vadd.s32 v8, v11  }
0x103: {  	v11 =	vtrunc.f32 v12;
	v9 =	vcvt.s32.f32 v10;
	v10 =	vsel vm0, $0x1, v0  }
0x104: {  	v12 =	vcvt.f32.s32 v11;
	v11 =	vadd.s32 v10, v8  }
0x105: {  	v6 =	vcvt.s32.f32 v6;
	v8 =	vsub.f32 v5, v9;
	v9 =	vcvt.s32.f32 v11  }
0x106: {  	v10 =	vcvt.f32.s32 v15  }
0x107: {  	v6 =	vadd.f32 v6, v8;
	v8 =	vcvt.s32.f32 v12;
	v12 =	vadd.f32 $7.194680000e+05, v9  }
0x108: {  	v7 =	vtrunc.f32 v7  }
0x109: {  	p4 =	por $0x1, $0x1;
	v10 =	vmul.u32 $0xFFFFFFF9, v10;
	v6 =	vsub.f32 v6, v8;
	v8 =	vadd.f32 $5.000000000e-01, v12  }
.Ltmp3:
0x10a: {  	v3 =	vmul.f32 $1.428571490e-01, v3;
	v7 =	vcvt.f32.s32 v7;
	v9 =	vadd.f32 $3.000000000e+00, v9;
	(pc) =	sbr.rel @!p4 .LBB2_8-.Ltmp3, $4  }
0x10b: {  	v10 =	vadd.s32 v10, v14;
	v13 =	vadd.f32 $5.000000000e-01, v6;
	v14 =	vmul.f32 $6.844767540e-06, v8  }
0x10c: {  	v15 =	vtrunc.f32 v3;
	v8 =	vcvt.s32.f32 v7  }
0x10d: {  	v3 =	vadd.f32 $5.000000000e-01, v9;
	v7 =	vmul.f32 $2.739726100e-03, v13;
	v13 =	vtrunc.f32 v14  }
0x10e: {  	p3 =	por $0x1, $0x1;
	v6 =	vadd.s32 $0x3, v10;
	v10 =	vadd.f32 $5.000000000e-01, v8;
	v23 =	vcvt.f32.s32 v13  }
0x10f: {  	s28 =	simm.s32 $0x30  }
0x110: {  	v13 =	vld [tilespmem:s28+$0x80];
	v9 =	vcvt.s32.f32 v23  }
0x111: {  	v14 =	vmul.f32 $2.500000000e-01, v10  }
0x112: {  	v9 =	vmul.f32 $-1.460970000e+05, v9  }
0x113: {  	v17 =	vmul.f32 $9.999999770e-03, v10;
	v14 =	vtrunc.f32 v14  }
0x114: {  	v18 =	vmul.f32 $3.650000000e+02, v8;
	v14 =	vcvt.f32.s32 v14;
	v16 =	vadd.f32 v9, v12  }
0x115: {  	v9 =	vtrunc.f32 v17;
	v12 =	vcvt.s32.f32 v13  }
0x116: {  	v14 =	vcvt.s32.f32 v14;
	v9 =	vcvt.f32.s32 v9;
	v17 =	vadd.f32 $5.000000000e-01, v16  }
0x117: {  	v15 =	vcvt.f32.s32 v15;
	v12 =	vmul.f32 $1.157407410e-05, v12  }
0x118: {  	v14 =	vadd.f32 v14, v18;
	v9 =	vcvt.s32.f32 v9;
	v18 =	vmul.f32 $6.849315250e-04, v17  }
0x119: {  	v15 =	vmul.u32 $0xFFFFFFF9, v15;
	v19 =	vmul.f32 $6.844814380e-06, v17;
	v12 =	vtrunc.f32 v12  }
0x11a: {  	v17 =	vmul.f32 $2.737925750e-05, v17;
	v9 =	vsub.f32 v9, v14;
	v12 =	vcvt.f32.s32 v12  }
0x11b: {  	v4 =	vadd.s32 v15, v4;
	v14 =	vtrunc.f32 v18;
	v15 =	vtrunc.f32 v19  }
0x11c: {  	v17 =	vtrunc.f32 v17;
	v19 =	vadd.f32 v9, v2;
	v18 =	vmul.u32 $0xFFFEAE80, v12  }
0x11d: {  	v9 =	vadd.s32 $0x3, v4;
	v4 =	vcvt.f32.s32 v14;
	v14 =	vcvt.f32.s32 v17  }
0x11e: {  	v15 =	vcvt.f32.s32 v15;
	v17 =	vmul.f32 $5.000000000e+00, v19;
	v13 =	vadd.s32 v13, v18  }
0x11f: {  	v18 =	vcvt.s32.f32 v4;
	vm0 =	vgt.s32 v13, $0x1517F;
	v13 =	vshra.s32 v13, $0x1F  }
0x120: {  	v4 =	vsel vm0, $0x1, v0;
	v12 =	vadd.s32 v12, v13;
	v13 =	vadd.f32 $2.000000000e+00, v17  }
0x121: {  	v14 =	vcvt.s32.f32 v14;
	v4 =	vadd.s32 v4, v12;
	v12 =	vsub.f32 v16, v18  }
0x122: {  	v7 =	vtrunc.f32 v7;
	v17 =	vcvt.s32.f32 v4;
	v18 =	vadd.f32 $5.000000000e-01, v13  }
0x123: {  	v7 =	vcvt.f32.s32 v7;
	v15 =	vcvt.s32.f32 v15;
	v14 =	vadd.f32 v14, v12  }
0x124: {  	v3 =	vmul.f32 $1.428571490e-01, v3;
	v12 =	vadd.f32 $7.194680000e+05, v17;
	v18 =	vmul.f32 $6.535947790e-03, v18  }
0x125: {  	v13 =	vtrunc.f32 v19;
	v19 =	vcvt.s32.f32 v7;
	v14 =	vsub.f32 v14, v15  }
0x126: {  	p5 =	por $0x1, $0x1;
	v22 =	vadd.f32 $3.000000000e+00, v17;
	v17 =	vadd.f32 $5.000000000e-01, v12;
	v18 =	vtrunc.f32 v18  }
.Ltmp4:
0x127: {  	v15 =	vtrunc.f32 v3;
	v3 =	vadd.f32 $5.000000000e-01, v14;
	v18 =	vcvt.f32.s32 v18;
	(pc) =	sbr.rel @!p5 .LBB2_10-.Ltmp4, $4  }
0x128: {  	v13 =	vcvt.f32.s32 v13;
	v21 =	vadd.f32 $5.000000000e-01, v19;
	v14 =	vmul.f32 $6.844767540e-06, v17  }
0x129: {  	v17 =	vmul.u32 $0x174, v6;
	v7 =	vmul.f32 $2.739726100e-03, v3;
	v24 =	vcvt.s32.f32 v18  }
0x12a: {  	vm15 =	vlt.s32 v18, $0xA;
	v3 =	vadd.f32 $5.000000000e-01, v22;
	v14 =	vtrunc.f32 v14  }
0x12b: {  	s0 =	simm.s32 $0x100;
	p4 =	por $0x1, $0x1;
	s30 =	simm.s32 $0x0;
	v20 =	vsel vm15, $0x2, v1;
	v23 =	vcvt.f32.s32 v14;
	v22 =	vmul.f32 $1.530000000e+02, v24  }
.LBB2_11:
0x12c: {  	s1 =	sshra.s32 s0, $0x2;
	p5 =	sne.s32 s0, $0x1C0;
	s0 =	sadd.s32 $0x40, s0;
	v14 =	vcvt.f32.s32 v15;
	v15 =	vmul.f32 $2.500000000e-01, v21;
	v18 =	vadd.s32 v18, v20  }
0x12d: {  	v20 =	vld [tilespmem:s1+$0x80];
	v23 =	vcvt.s32.f32 v23;
	v22 =	vadd.f32 $2.000000000e+00, v22;
	v18 =	vmul.u32 $0x1F, v18  }
0x12e: {  	v21 =	vmul.f32 $9.999999770e-03, v21;
	v14 =	vmul.u32 $0xFFFFFFF9, v14;
	v15 =	vtrunc.f32 v15  }
0x12f: {  	v23 =	vmul.f32 $-1.460970000e+05, v23;
	v15 =	vcvt.f32.s32 v15;
	v22 =	vadd.f32 $5.000000000e-01, v22  }
0x130: {  	v19 =	vmul.f32 $3.650000000e+02, v19;
	v21 =	vtrunc.f32 v21;
	v14 =	vadd.s32 v14, v11;
	v11 =	vmovc v4  }
0x131: {  	v4 =	vadd.f32 v23, v12;
	v12 =	vcvt.s32.f32 v15;
	v15 =	vmul.f32 $2.000000030e-01, v22  }
0x132: {  	v21 =	vcvt.f32.s32 v21;
	v14 =	vadd.s32 $0x3, v14;
	v22 =	vcvt.s32.f32 v20  }
0x133: {  	v23 =	vadd.f32 $5.000000000e-01, v4;
	v12 =	vadd.f32 v12, v19;
	v15 =	vtrunc.f32 v15  }
0x134: {  	v13 =	vadd.s32 v13, v17;
	v19 =	vmul.f32 $1.157407410e-05, v22;
	v15 =	vcvt.f32.s32 v15  }
0x135: {  	v13 =	vadd.s32 v18, v13;
	v21 =	vcvt.s32.f32 v21;
	v17 =	vmul.f32 $6.849315250e-04, v23  }
0x136: {  	v18 =	vtrunc.f32 v19;
	v19 =	vmul.f32 $6.844814380e-06, v23;
	v13 =	vsub.s32 v13, v15  }
0x137: {  	v12 =	vsub.f32 v21, v12;
	v15 =	vcvt.f32.s32 v18;
	v18 =	vmul.f32 $2.737925750e-05, v23;
	[tilespmem:s30+$0x280] =	vst v13;
	s30 =	smov.u32 s31;
	s31 =	smov.u32 s29;
	s29 =	smov.u32 s28  }
0x138: {  	v13 =	vtrunc.f32 v17;
	s28 =	smov.u32 s1;
	v17 =	vtrunc.f32 v19  }
0x139: {  	v12 =	vadd.f32 v12, v5;
	v5 =	vmovc v16;
	v16 =	vmovc v4;
	v19 =	vmul.u32 $0xFFFEAE80, v15;
	v18 =	vtrunc.f32 v18  }
0x13a: {  	v4 =	vcvt.f32.s32 v13;
	v13 =	vcvt.f32.s32 v18  }
0x13b: {  	v17 =	vcvt.f32.s32 v17;
	v18 =	vadd.s32 v20, v19;
	v19 =	vmul.f32 $5.000000000e+00, v12  }
0x13c: {  	v20 =	vcvt.s32.f32 v4;
	vm0 =	vgt.s32 v18, $0x1517F;
	v18 =	vshra.s32 v18, $0x1F  }
0x13d: {  	v4 =	vsel vm0, $0x1, v0;
	v15 =	vadd.s32 v15, v18;
	v18 =	vadd.f32 $2.000000000e+00, v19  }
0x13e: {  	v13 =	vcvt.s32.f32 v13;
	v4 =	vadd.s32 v4, v15;
	v15 =	vsub.f32 v16, v20  }
0x13f: {  	v12 =	vtrunc.f32 v12;
	v19 =	vcvt.s32.f32 v4;
	v18 =	vadd.f32 $5.000000000e-01, v18  }
0x140: {  	v17 =	vcvt.s32.f32 v17;
	v15 =	vadd.f32 v13, v15;
	v13 =	vcvt.f32.s32 v12  }
0x141: {  	v3 =	vmul.f32 $1.428571490e-01, v3;
	v12 =	vadd.f32 $7.194680000e+05, v19;
	v18 =	vmul.f32 $6.535947790e-03, v18  }
0x142: {  	v7 =	vtrunc.f32 v7;
	v22 =	vadd.f32 $3.000000000e+00, v19;
	v17 =	vsub.f32 v15, v17  }
0x143: {  	v7 =	vcvt.f32.s32 v7;
	v19 =	vadd.f32 $5.000000000e-01, v12;
	v18 =	vtrunc.f32 v18  }
.Ltmp5:
0x144: {  	v15 =	vtrunc.f32 v3;
	v3 =	vadd.f32 $5.000000000e-01, v17;
	v18 =	vcvt.f32.s32 v18;
	(pc) =	sbr.rel @p5 .LBB2_11-.Ltmp5, $4  }
0x145: {  	v17 =	vmul.u32 $0x174, v9;
	v9 =	vmovc v14;
	v20 =	vmul.f32 $6.844767540e-06, v19;
	v19 =	vcvt.s32.f32 v7  }
0x146: {  	v7 =	vmul.f32 $2.739726100e-03, v3;
	v14 =	vcvt.s32.f32 v18;
	vm0 =	vlt.s32 v18, $0xA  }
0x147: {  	v23 =	vtrunc.f32 v20;
	v21 =	vadd.f32 $5.000000000e-01, v19;
	v20 =	vsel vm0, $0x2, v1  }
0x148: {  	v3 =	vadd.f32 $5.000000000e-01, v22;
	v23 =	vcvt.f32.s32 v23;
	v22 =	vmul.f32 $1.530000000e+02, v14  }
0x149: {  	s0 =	smov.u32 s31;
	v24 =	vmov v5;
	v14 =	vmov v11;
	s31 =	smov.u32 s28;
	v5 =	vmov v16  }
.LBB2_13:
0x14a: {  	v11 =	vcvt.s32.f32 v23;
	_ =	sdelay $0x1  }
0x14b: {  	v11 =	vmul.f32 $-1.460970000e+05, v11;
	_ =	sdelay $0x1  }
0x14c: {  	v11 =	vadd.f32 v11, v12;
	_ =	sdelay $0x1  }
0x14d: {  	v12 =	vadd.f32 $5.000000000e-01, v11;
	_ =	sdelay $0x1  }
0x14e: {  	v16 =	vmul.f32 $6.849315250e-04, v12;
	_ =	sdelay $0x1  }
0x14f: {  	v23 =	vmul.f32 $2.737925750e-05, v12;
	v16 =	vtrunc.f32 v16  }
0x150: {  	v16 =	vcvt.f32.s32 v16  }
0x151: {  	v12 =	vmul.f32 $6.844814380e-06, v12;
	v23 =	vtrunc.f32 v23  }
0x152: {  	v23 =	vcvt.f32.s32 v23;
	v16 =	vcvt.s32.f32 v16  }
0x153: {  	v12 =	vtrunc.f32 v12  }
0x154: {  	v12 =	vcvt.f32.s32 v12;
	v23 =	vcvt.s32.f32 v23;
	v16 =	vsub.f32 v11, v16  }
0x155: {  	v25 =	vmul.f32 @p3 $2.500000000e-01, v21  }
0x156: {  	v21 =	vmul.f32 @p3 $9.999999770e-03, v21;
	v12 =	vcvt.s32.f32 v12;
	v16 =	vadd.f32 v23, v16  }
0x157: {  	v7 =	vtrunc.f32 @p2 v7;
	v15 =	vcvt.f32.s32 @p2 v15  }
0x158: {  	v7 =	vcvt.f32.s32 @p2 v7;
	v23 =	vtrunc.f32 @p3 v25;
	v12 =	vsub.f32 v16, v12  }
0x159: {  	v3 =	vmul.f32 $1.428571490e-01, v3;
	v23 =	vcvt.f32.s32 @p3 v23  }
0x15a: {  	v7 =	vcvt.s32.f32 @p2 v7;
	v16 =	vmul.f32 @p3 $3.650000000e+02, v19;
	v12 =	vadd.f32 $5.000000000e-01, v12  }
0x15b: {  	v19 =	vtrunc.f32 @p3 v21;
	v21 =	vcvt.s32.f32 @p3 v23  }
0x15c: {  	v19 =	vcvt.f32.s32 @p3 v19;
	v12 =	vmul.f32 $2.739726100e-03, v12  }
0x15d: {  	v3 =	vtrunc.f32 v3;
	v16 =	vadd.f32 @p3 v21, v16;
	v21 =	vadd.f32 @p2 $5.000000000e-01, v7  }
0x15e: {  	v18 =	vadd.s32 @p4 v18, v20;
	v19 =	vcvt.s32.f32 @p3 v19;
	v12 =	vtrunc.f32 v12  }
0x15f: {  	v7 =	vpsel p2, v7, v8;
	v10 =	vpsel p2, v21, v10;
	v12 =	vcvt.f32.s32 v12  }
0x160: {  	v7 =	vmul.f32 @p2 $3.650000000e+02, v7;
	v16 =	vsub.f32 @p3 v19, v16;
	v20 =	vmul.f32 @p2 $2.500000000e-01, v10  }
0x161: {  	v15 =	vmul.u32 @p2 $0xFFFFFFF9, v15;
	v10 =	vmul.f32 @p2 $9.999999770e-03, v10;
	v12 =	vcvt.s32.f32 v12  }
0x162: {  	v19 =	vadd.f32 @p4 $2.000000000e+00, v22;
	v16 =	vadd.f32 @p3 v16, v24;
	v8 =	vtrunc.f32 @p2 v20  }
0x163: {  	v10 =	vtrunc.f32 @p2 v10;
	v8 =	vcvt.f32.s32 @p2 v8;
	v20 =	vadd.f32 $5.000000000e-01, v12  }
0x164: {  	v19 =	vadd.f32 @p4 $5.000000000e-01, v19;
	v21 =	vmul.f32 @p3 $5.000000000e+00, v16;
	v10 =	vcvt.f32.s32 @p2 v10  }
0x165: {  	v14 =	vadd.s32 @p2 v15, v14;
	v8 =	vcvt.s32.f32 @p2 v8;
	v15 =	vmul.f32 $2.500000000e-01, v20  }
0x166: {  	v19 =	vmul.f32 @p4 $2.000000030e-01, v19;
	v21 =	vadd.f32 @p3 $2.000000000e+00, v21;
	v10 =	vcvt.s32.f32 @p2 v10  }
0x167: {  	v7 =	vadd.f32 @p2 v8, v7;
	v57 =	vtrunc.f32 v15;
	v15 =	vmul.f32 $9.999999770e-03, v20  }
0x168: {  	v58 =	vmul.f32 $3.650000000e+02, v12;
	v8 =	vcvt.f32.s32 v57  }
0x169: {  	v20 =	vadd.f32 @p3 $5.000000000e-01, v21;
	v7 =	vsub.f32 @p2 v10, v7;
	v12 =	vtrunc.f32 v15  }
0x16a: {  	v2 =	vpsel p2, v5, v2;
	v5 =	vcvt.s32.f32 v8;
	v59 =	vcvt.f32.s32 v12  }
0x16b: {  	v3 =	vcvt.f32.s32 v3;
	v15 =	vmul.f32 @p3 $6.535947790e-03, v20;
	v2 =	vadd.f32 @p2 v7, v2  }
0x16c: {  	v12 =	vtrunc.f32 @p4 v19;
	v5 =	vadd.f32 v5, v58;
	v8 =	vcvt.s32.f32 v59  }
0x16d: {  	v10 =	vadd.s32 @p4 v13, v17;
	v7 =	vcvt.f32.s32 @p4 v12;
	v12 =	vtrunc.f32 @p3 v15  }
0x16e: {  	v13 =	vmul.f32 @p2 $5.000000000e+00, v2;
	v12 =	vcvt.f32.s32 @p3 v12;
	v5 =	vsub.f32 v8, v5  }
0x16f: {  	v9 =	vmul.u32 @p3 $0x174, v9;
	v14 =	vadd.s32 @p2 $0x3, v14;
	v3 =	vmul.u32 $0xFFFFFFF9, v3  }
0x170: {  	v8 =	vadd.f32 @p2 $2.000000000e+00, v13;
	v13 =	vcvt.s32.f32 @p3 v12;
	v5 =	vadd.f32 v5, v11  }
0x171: {  	v18 =	vmul.u32 @p4 $0x1F, v18;
	v9 =	vpsel p3, v9, v0;
	v6 =	vpsel p2, v14, v6  }
0x172: {  	v3 =	vadd.s32 v3, v4;
	v11 =	vmul.f32 @p3 $1.530000000e+02, v13;
	v13 =	vmul.f32 $5.000000000e+00, v5  }
0x173: {  	v6 =	vmul.u32 @p2 $0x174, v6;
	v10 =	vadd.s32 @p4 v18, v10;
	v8 =	vadd.f32 @p2 $5.000000000e-01, v8  }
0x174: {  	v3 =	vadd.s32 $0x3, v3;
	v7 =	vsub.s32 @p4 v10, v7;
	v13 =	vadd.f32 $2.000000000e+00, v13  }
0x175: {  	v10 =	vtrunc.f32 @p3 v16;
	vm0 =	vlt.s32 @p3 v12, $0xA;
	v8 =	vmul.f32 @p2 $6.535947790e-03, v8  }
0x176: {  	v12 =	vpsel p3, v12, v0;
	v15 =	vsel @p3 vm0, $0x2, v1;
	v13 =	vadd.f32 $5.000000000e-01, v13  }
0x177: {  	v15 =	vpsel p3, v15, v0;
	v11 =	vpsel p3, v11, v0;
	v8 =	vtrunc.f32 @p2 v8  }
0x178: {  	v11 =	vadd.f32 @p3 $2.000000000e+00, v11;
	v8 =	vcvt.f32.s32 @p2 v8;
	v13 =	vmul.f32 $6.535947790e-03, v13  }
0x179: {  	v6 =	vpsel p2, v6, v0;
	v10 =	vcvt.f32.s32 @p3 v10;
	v12 =	vadd.s32 @p3 v12, v15  }
0x17a: {  	v11 =	vadd.f32 @p3 $5.000000000e-01, v11;
	v14 =	vcvt.s32.f32 @p2 v8;
	v13 =	vtrunc.f32 v13  }
0x17b: {  	v10 =	vpsel p3, v10, v0;
	v12 =	vmul.u32 @p3 $0x1F, v12;
	v60 =	vcvt.f32.s32 v13  }
0x17c: {  	v9 =	vadd.s32 @p3 v10, v9;
	v11 =	vmul.f32 @p3 $2.000000030e-01, v11;
	v14 =	vmul.f32 @p2 $1.530000000e+02, v14  }
0x17d: {  	v2 =	vtrunc.f32 @p2 v2;
	v9 =	vadd.s32 @p3 v12, v9;
	v12 =	vcvt.s32.f32 v60  }
0x17e: {  	v2 =	vcvt.f32.s32 @p2 v2;
	v4 =	vtrunc.f32 @p3 v11;
	v10 =	vpsel p2, v14, v0  }
0x17f: {  	v4 =	vcvt.f32.s32 @p3 v4;
	v10 =	vadd.f32 @p2 $2.000000000e+00, v10;
	v61 =	vmul.f32 $1.530000000e+02, v12  }
0x180: {  	v3 =	vmul.u32 $0x174, v3;
	v2 =	vpsel p2, v2, v0;
	v5 =	vtrunc.f32 v5  }
0x181: {  	v4 =	vsub.s32 @p3 v9, v4;
	v9 =	vadd.f32 @p2 $5.000000000e-01, v10;
	v10 =	vadd.f32 $2.000000000e+00, v61  }
0x182: {  	v2 =	vadd.s32 @p2 v2, v6;
	v5 =	vcvt.f32.s32 v5;
	vm0 =	vlt.s32 @p2 v8, $0xA  }
0x183: {  	v8 =	vpsel p2, v8, v0;
	v12 =	vsel @p2 vm0, $0x2, v1;
	v10 =	vadd.f32 $5.000000000e-01, v10  }
0x184: {  	vm14 =	vlt.s32 v60, $0xA;
	v12 =	vpsel p2, v12, v0;
	v9 =	vmul.f32 @p2 $2.000000030e-01, v9  }
0x185: {  	v8 =	vadd.s32 @p2 v8, v12;
	v12 =	vsel vm14, $0x2, v1;
	v10 =	vmul.f32 $2.000000030e-01, v10  }
0x186: {  	s1 =	smov.u32 @p2 s29;
	s28 =	smov.u32 s26;
	v9 =	vtrunc.f32 @p2 v9;
	v8 =	vmul.u32 @p2 $0x1F, v8;
	v11 =	vadd.s32 v60, v12  }
0x187: {  	s28 =	smov.u32 @p2 s1;
	v9 =	vcvt.f32.s32 @p2 v9;
	v62 =	vmul.u32 $0x1F, v11;
	v10 =	vtrunc.f32 v10  }
0x188: {  	s0 =	smov.u32 @p3 s0;
	s1 =	smov.u32 @p2 s28;
	[tilespmem:s30+$0x280] =	vst @p4 v7;
	v3 =	vadd.s32 v5, v3;
	v2 =	vadd.s32 @p2 v8, v2;
	v63 =	vcvt.f32.s32 v10  }
0x189: {  	[tilespmem:s0+$0x280] =	vst @p3 v4;
	s0 =	smov.u32 @p2 s1;
	v2 =	vsub.s32 @p2 v2, v9;
	v3 =	vadd.s32 v62, v3  }
0x18a: {  	[tilespmem:s0+$0x280] =	vst @p2 v2;
	v2 =	vsub.s32 v3, v63  }
0x18b: {  	[tilespmem:s31+$0x280] =	vst v2  }
0x18c: {  	v2 =	vld [tilespmem:s26+$0x100];
	_ =	sdelay $0x4  }
0x18d: {  	v3 =	vcvt.s32.f32 v2;
	_ =	sdelay $0x1  }
0x18e: {  	v3 =	vmul.f32 $1.157407410e-05, v3;
	_ =	sdelay $0x1  }
0x18f: {  	v3 =	vtrunc.f32 v3  }
0x190: {  	v3 =	vcvt.f32.s32 v3;
	_ =	sdelay $0x1  }
0x191: {  	v4 =	vmul.u32 $0xFFFEAE80, v3;
	_ =	sdelay $0x1  }
0x192: {  	v2 =	vadd.s32 v2, v4  }
0x193: {  	vm15 =	vgt.s32 v2, $0x1517F;
	v2 =	vshra.s32 v2, $0x1F  }
0x194: {  	v4 =	vsel vm15, $0x1, v0;
	v2 =	vadd.s32 v3, v2  }
0x195: {  	v14 =	vadd.s32 v4, v2  }
0x196: {  	v2 =	vcvt.s32.f32 v14;
	_ =	sdelay $0x1  }
0x197: {  	v12 =	vadd.f32 $7.194680000e+05, v2;
	_ =	sdelay $0x1  }
0x198: {  	v3 =	vadd.f32 $5.000000000e-01, v12  }
.Ltmp6:
0x199: {  	_ = 	snop;
	(pc) =	sbr.rel @!p1 .LBB2_14-.Ltmp6, $4  }
0x19a: {  	v3 =	vmul.f32 $6.844767540e-06, v3  }
0x19b: {  	v2 =	vadd.f32 $3.000000000e+00, v2  }
0x19c: {  	v4 =	vtrunc.f32 v3  }
0x19d: {  	v3 =	vadd.f32 $5.000000000e-01, v2;
	v23 =	vcvt.f32.s32 v4  }
0x19e: {  	s28 =	simm.s32 $0x10  }
0x19f: {  	v4 =	vld [tilespmem:s28+$0x100];
	_ =	sdelay $0x3  }
0x1a0: {  	v2 =	vcvt.s32.f32 v23  }
0x1a1: {  	v5 =	vcvt.s32.f32 v4  }
0x1a2: {  	v2 =	vmul.f32 $-1.460970000e+05, v2  }
0x1a3: {  	v5 =	vmul.f32 $1.157407410e-05, v5  }
0x1a4: {  	v2 =	vadd.f32 v2, v12  }
0x1a5: {  	v5 =	vtrunc.f32 v5  }
0x1a6: {  	v6 =	vadd.f32 $5.000000000e-01, v2;
	v5 =	vcvt.f32.s32 v5;
	_ =	sdelay $0x1  }
0x1a7: {  	v7 =	vmul.f32 $6.849315250e-04, v6;
	v8 =	vmul.u32 $0xFFFEAE80, v5  }
0x1a8: {  	v9 =	vmul.f32 $6.844814380e-06, v6  }
0x1a9: {  	v6 =	vmul.f32 $2.737925750e-05, v6;
	v7 =	vtrunc.f32 v7;
	v4 =	vadd.s32 v4, v8  }
0x1aa: {  	v7 =	vcvt.f32.s32 v7;
	vm0 =	vgt.s32 v4, $0x1517F;
	v4 =	vshra.s32 v4, $0x1F  }
0x1ab: {  	v6 =	vtrunc.f32 v6;
	v8 =	vsel vm0, $0x1, v0;
	v4 =	vadd.s32 v5, v4  }
0x1ac: {  	v5 =	vcvt.f32.s32 v6;
	v6 =	vcvt.s32.f32 v7;
	v4 =	vadd.s32 v8, v4  }
0x1ad: {  	v7 =	vtrunc.f32 v9;
	v8 =	vcvt.s32.f32 v4  }
0x1ae: {  	v7 =	vcvt.f32.s32 v7;
	v6 =	vsub.f32 v2, v6;
	v5 =	vcvt.s32.f32 v5  }
0x1af: {  	v12 =	vadd.f32 $7.194680000e+05, v8  }
0x1b0: {  	v5 =	vadd.f32 v5, v6;
	v6 =	vcvt.s32.f32 v7  }
0x1b1: {  	p2 =	por $0x1, $0x1;
	v7 =	vadd.f32 $5.000000000e-01, v12  }
.Ltmp7:
0x1b2: {  	v5 =	vsub.f32 v5, v6;
	(pc) =	sbr.rel @!p2 .LBB2_16-.Ltmp7, $4  }
0x1b3: {  	v3 =	vmul.f32 $1.428571490e-01, v3;
	v6 =	vmul.f32 $6.844767540e-06, v7  }
0x1b4: {  	v8 =	vadd.f32 $3.000000000e+00, v8;
	v5 =	vadd.f32 $5.000000000e-01, v5  }
0x1b5: {  	v15 =	vtrunc.f32 v3;
	v6 =	vtrunc.f32 v6  }
0x1b6: {  	p1 =	por $0x1, $0x1;
	v3 =	vadd.f32 $5.000000000e-01, v8;
	v7 =	vmul.f32 $2.739726100e-03, v5;
	v23 =	vcvt.f32.s32 v6  }
0x1b7: {  	s29 =	simm.s32 $0x20  }
0x1b8: {  	v6 =	vld [tilespmem:s29+$0x100];
	_ =	sdelay $0x3  }
0x1b9: {  	v5 =	vcvt.s32.f32 v23  }
0x1ba: {  	v8 =	vcvt.s32.f32 v6  }
0x1bb: {  	v5 =	vmul.f32 $-1.460970000e+05, v5  }
0x1bc: {  	v8 =	vmul.f32 $1.157407410e-05, v8  }
0x1bd: {  	v5 =	vadd.f32 v5, v12  }
0x1be: {  	v8 =	vtrunc.f32 v8  }
0x1bf: {  	v9 =	vadd.f32 $5.000000000e-01, v5;
	v8 =	vcvt.f32.s32 v8;
	_ =	sdelay $0x1  }
0x1c0: {  	v11 =	vmul.f32 $6.849315250e-04, v9;
	v10 =	vmul.u32 $0xFFFEAE80, v8  }
0x1c1: {  	v12 =	vmul.f32 $6.844814380e-06, v9;
	v9 =	vmul.f32 $2.737925750e-05, v9  }
0x1c2: {  	v6 =	vadd.s32 v6, v10;
	v10 =	vtrunc.f32 v11  }
0x1c3: {  	v9 =	vtrunc.f32 v9;
	v11 =	vshra.s32 v6, $0x1F;
	v10 =	vcvt.f32.s32 v10  }
0x1c4: {  	vm0 =	vgt.s32 v6, $0x1517F;
	v6 =	vcvt.f32.s32 v9;
	v8 =	vadd.s32 v8, v11  }
0x1c5: {  	v11 =	vtrunc.f32 v12;
	v9 =	vcvt.s32.f32 v10;
	v10 =	vsel vm0, $0x1, v0  }
0x1c6: {  	v12 =	vcvt.f32.s32 v11;
	v11 =	vadd.s32 v10, v8  }
0x1c7: {  	v6 =	vcvt.s32.f32 v6;
	v8 =	vsub.f32 v5, v9;
	v9 =	vcvt.s32.f32 v11  }
0x1c8: {  	v10 =	vcvt.f32.s32 v15  }
0x1c9: {  	v6 =	vadd.f32 v6, v8;
	v8 =	vcvt.s32.f32 v12;
	v12 =	vadd.f32 $7.194680000e+05, v9  }
0x1ca: {  	v7 =	vtrunc.f32 v7  }
0x1cb: {  	p3 =	por $0x1, $0x1;
	v10 =	vmul.u32 $0xFFFFFFF9, v10;
	v6 =	vsub.f32 v6, v8;
	v8 =	vadd.f32 $5.000000000e-01, v12  }
.Ltmp8:
0x1cc: {  	v3 =	vmul.f32 $1.428571490e-01, v3;
	v7 =	vcvt.f32.s32 v7;
	v9 =	vadd.f32 $3.000000000e+00, v9;
	(pc) =	sbr.rel @!p3 .LBB2_18-.Ltmp8, $4  }
0x1cd: {  	v10 =	vadd.s32 v10, v14;
	v13 =	vadd.f32 $5.000000000e-01, v6;
	v14 =	vmul.f32 $6.844767540e-06, v8  }
0x1ce: {  	v15 =	vtrunc.f32 v3;
	v8 =	vcvt.s32.f32 v7  }
0x1cf: {  	v3 =	vadd.f32 $5.000000000e-01, v9;
	v7 =	vmul.f32 $2.739726100e-03, v13;
	v13 =	vtrunc.f32 v14  }
0x1d0: {  	p2 =	por $0x1, $0x1;
	v6 =	vadd.s32 $0x3, v10;
	v10 =	vadd.f32 $5.000000000e-01, v8;
	v23 =	vcvt.f32.s32 v13  }
0x1d1: {  	s0 =	simm.s32 $0x30  }
0x1d2: {  	v13 =	vld [tilespmem:s0+$0x100];
	v9 =	vcvt.s32.f32 v23  }
0x1d3: {  	v14 =	vmul.f32 $2.500000000e-01, v10  }
0x1d4: {  	v9 =	vmul.f32 $-1.460970000e+05, v9  }
0x1d5: {  	v17 =	vmul.f32 $9.999999770e-03, v10;
	v14 =	vtrunc.f32 v14  }
0x1d6: {  	v18 =	vmul.f32 $3.650000000e+02, v8;
	v14 =	vcvt.f32.s32 v14;
	v16 =	vadd.f32 v9, v12  }
0x1d7: {  	v9 =	vtrunc.f32 v17;
	v12 =	vcvt.s32.f32 v13  }
0x1d8: {  	v14 =	vcvt.s32.f32 v14;
	v9 =	vcvt.f32.s32 v9;
	v17 =	vadd.f32 $5.000000000e-01, v16  }
0x1d9: {  	v15 =	vcvt.f32.s32 v15;
	v12 =	vmul.f32 $1.157407410e-05, v12  }
0x1da: {  	v14 =	vadd.f32 v14, v18;
	v9 =	vcvt.s32.f32 v9;
	v18 =	vmul.f32 $6.849315250e-04, v17  }
0x1db: {  	v15 =	vmul.u32 $0xFFFFFFF9, v15;
	v19 =	vmul.f32 $6.844814380e-06, v17;
	v12 =	vtrunc.f32 v12  }
0x1dc: {  	v17 =	vmul.f32 $2.737925750e-05, v17;
	v9 =	vsub.f32 v9, v14;
	v12 =	vcvt.f32.s32 v12  }
0x1dd: {  	v4 =	vadd.s32 v15, v4;
	v14 =	vtrunc.f32 v18;
	v15 =	vtrunc.f32 v19  }
0x1de: {  	v17 =	vtrunc.f32 v17;
	v19 =	vadd.f32 v9, v2;
	v18 =	vmul.u32 $0xFFFEAE80, v12  }
0x1df: {  	v9 =	vadd.s32 $0x3, v4;
	v4 =	vcvt.f32.s32 v14;
	v14 =	vcvt.f32.s32 v17  }
0x1e0: {  	v15 =	vcvt.f32.s32 v15;
	v17 =	vmul.f32 $5.000000000e+00, v19;
	v13 =	vadd.s32 v13, v18  }
0x1e1: {  	v18 =	vcvt.s32.f32 v4;
	vm0 =	vgt.s32 v13, $0x1517F;
	v13 =	vshra.s32 v13, $0x1F  }
0x1e2: {  	v4 =	vsel vm0, $0x1, v0;
	v12 =	vadd.s32 v12, v13;
	v13 =	vadd.f32 $2.000000000e+00, v17  }
0x1e3: {  	v14 =	vcvt.s32.f32 v14;
	v4 =	vadd.s32 v4, v12;
	v12 =	vsub.f32 v16, v18  }
0x1e4: {  	v7 =	vtrunc.f32 v7;
	v17 =	vcvt.s32.f32 v4;
	v18 =	vadd.f32 $5.000000000e-01, v13  }
0x1e5: {  	v7 =	vcvt.f32.s32 v7;
	v15 =	vcvt.s32.f32 v15;
	v14 =	vadd.f32 v14, v12  }
0x1e6: {  	v3 =	vmul.f32 $1.428571490e-01, v3;
	v12 =	vadd.f32 $7.194680000e+05, v17;
	v18 =	vmul.f32 $6.535947790e-03, v18  }
0x1e7: {  	v13 =	vtrunc.f32 v19;
	v19 =	vcvt.s32.f32 v7;
	v14 =	vsub.f32 v14, v15  }
0x1e8: {  	p3 =	por $0x1, $0x1;
	v22 =	vadd.f32 $3.000000000e+00, v17;
	v17 =	vadd.f32 $5.000000000e-01, v12;
	v18 =	vtrunc.f32 v18  }
.Ltmp9:
0x1e9: {  	v15 =	vtrunc.f32 v3;
	v3 =	vadd.f32 $5.000000000e-01, v14;
	v18 =	vcvt.f32.s32 v18;
	(pc) =	sbr.rel @!p3 .LBB2_20-.Ltmp9, $4  }
0x1ea: {  	v13 =	vcvt.f32.s32 v13;
	v21 =	vadd.f32 $5.000000000e-01, v19;
	v14 =	vmul.f32 $6.844767540e-06, v17  }
0x1eb: {  	v17 =	vmul.u32 $0x174, v6;
	v7 =	vmul.f32 $2.739726100e-03, v3;
	v24 =	vcvt.s32.f32 v18  }
0x1ec: {  	vm15 =	vlt.s32 v18, $0xA;
	v3 =	vadd.f32 $5.000000000e-01, v22;
	v14 =	vtrunc.f32 v14  }
0x1ed: {  	s31 =	simm.s32 $0x100;
	p0 =	por $0x1, $0x1;
	s30 =	simm.s32 $0x0;
	v20 =	vsel vm15, $0x2, v1;
	v23 =	vcvt.f32.s32 v14;
	v22 =	vmul.f32 $1.530000000e+02, v24  }
.LBB2_21:
0x1ee: {  	s1 =	sshra.s32 s31, $0x2;
	p3 =	sne.s32 s31, $0x1C0;
	s31 =	sadd.s32 $0x40, s31;
	v14 =	vcvt.f32.s32 v15;
	v15 =	vmul.f32 $2.500000000e-01, v21;
	v18 =	vadd.s32 v18, v20  }
0x1ef: {  	v20 =	vld [tilespmem:s1+$0x100];
	v23 =	vcvt.s32.f32 v23;
	v22 =	vadd.f32 $2.000000000e+00, v22;
	v18 =	vmul.u32 $0x1F, v18  }
0x1f0: {  	v21 =	vmul.f32 $9.999999770e-03, v21;
	v14 =	vmul.u32 $0xFFFFFFF9, v14;
	v15 =	vtrunc.f32 v15  }
0x1f1: {  	v23 =	vmul.f32 $-1.460970000e+05, v23;
	v15 =	vcvt.f32.s32 v15;
	v22 =	vadd.f32 $5.000000000e-01, v22  }
0x1f2: {  	v19 =	vmul.f32 $3.650000000e+02, v19;
	v21 =	vtrunc.f32 v21;
	v14 =	vadd.s32 v14, v11;
	v11 =	vmovc v4  }
0x1f3: {  	v4 =	vadd.f32 v23, v12;
	v12 =	vcvt.s32.f32 v15;
	v15 =	vmul.f32 $2.000000030e-01, v22  }
0x1f4: {  	v21 =	vcvt.f32.s32 v21;
	v14 =	vadd.s32 $0x3, v14;
	v22 =	vcvt.s32.f32 v20  }
0x1f5: {  	v23 =	vadd.f32 $5.000000000e-01, v4;
	v12 =	vadd.f32 v12, v19;
	v15 =	vtrunc.f32 v15  }
0x1f6: {  	v13 =	vadd.s32 v13, v17;
	v19 =	vmul.f32 $1.157407410e-05, v22;
	v15 =	vcvt.f32.s32 v15  }
0x1f7: {  	v13 =	vadd.s32 v18, v13;
	v21 =	vcvt.s32.f32 v21;
	v17 =	vmul.f32 $6.849315250e-04, v23  }
0x1f8: {  	v18 =	vtrunc.f32 v19;
	v19 =	vmul.f32 $6.844814380e-06, v23;
	v13 =	vsub.s32 v13, v15  }
0x1f9: {  	v12 =	vsub.f32 v21, v12;
	v15 =	vcvt.f32.s32 v18;
	v18 =	vmul.f32 $2.737925750e-05, v23;
	[tilespmem:s30+$0x300] =	vst v13;
	s30 =	smov.u32 s28;
	s28 =	smov.u32 s29;
	s29 =	smov.u32 s0  }
0x1fa: {  	v13 =	vtrunc.f32 v17;
	s0 =	smov.u32 s1;
	v17 =	vtrunc.f32 v19  }
0x1fb: {  	v12 =	vadd.f32 v12, v5;
	v5 =	vmovc v16;
	v16 =	vmovc v4;
	v19 =	vmul.u32 $0xFFFEAE80, v15;
	v18 =	vtrunc.f32 v18  }
0x1fc: {  	v4 =	vcvt.f32.s32 v13;
	v13 =	vcvt.f32.s32 v18  }
0x1fd: {  	v17 =	vcvt.f32.s32 v17;
	v18 =	vadd.s32 v20, v19;
	v19 =	vmul.f32 $5.000000000e+00, v12  }
0x1fe: {  	v20 =	vcvt.s32.f32 v4;
	vm0 =	vgt.s32 v18, $0x1517F;
	v18 =	vshra.s32 v18, $0x1F  }
0x1ff: {  	v4 =	vsel vm0, $0x1, v0;
	v15 =	vadd.s32 v15, v18;
	v18 =	vadd.f32 $2.000000000e+00, v19  }
0x200: {  	v13 =	vcvt.s32.f32 v13;
	v4 =	vadd.s32 v4, v15;
	v15 =	vsub.f32 v16, v20  }
0x201: {  	v12 =	vtrunc.f32 v12;
	v19 =	vcvt.s32.f32 v4;
	v18 =	vadd.f32 $5.000000000e-01, v18  }
0x202: {  	v17 =	vcvt.s32.f32 v17;
	v15 =	vadd.f32 v13, v15;
	v13 =	vcvt.f32.s32 v12  }
0x203: {  	v3 =	vmul.f32 $1.428571490e-01, v3;
	v12 =	vadd.f32 $7.194680000e+05, v19;
	v18 =	vmul.f32 $6.535947790e-03, v18  }
0x204: {  	v7 =	vtrunc.f32 v7;
	v22 =	vadd.f32 $3.000000000e+00, v19;
	v17 =	vsub.f32 v15, v17  }
0x205: {  	v7 =	vcvt.f32.s32 v7;
	v19 =	vadd.f32 $5.000000000e-01, v12;
	v18 =	vtrunc.f32 v18  }
.Ltmp10:
0x206: {  	v15 =	vtrunc.f32 v3;
	v3 =	vadd.f32 $5.000000000e-01, v17;
	v18 =	vcvt.f32.s32 v18;
	(pc) =	sbr.rel @p3 .LBB2_21-.Ltmp10, $4  }
0x207: {  	v17 =	vmul.u32 $0x174, v9;
	v9 =	vmovc v14;
	v20 =	vmul.f32 $6.844767540e-06, v19;
	v19 =	vcvt.s32.f32 v7  }
0x208: {  	v7 =	vmul.f32 $2.739726100e-03, v3;
	v14 =	vcvt.s32.f32 v18;
	vm0 =	vlt.s32 v18, $0xA  }
0x209: {  	v23 =	vtrunc.f32 v20;
	v21 =	vadd.f32 $5.000000000e-01, v19;
	v20 =	vsel vm0, $0x2, v1  }
0x20a: {  	v3 =	vadd.f32 $5.000000000e-01, v22;
	v23 =	vcvt.f32.s32 v23;
	v22 =	vmul.f32 $1.530000000e+02, v14  }
0x20b: {  	s31 =	smov.u32 s28;
	v24 =	vmov v5;
	v14 =	vmov v11;
	s28 =	smov.u32 s0;
	v5 =	vmov v16  }
.LBB2_23:
0x20c: {  	v11 =	vcvt.s32.f32 v23;
	_ =	sdelay $0x1  }
0x20d: {  	v11 =	vmul.f32 $-1.460970000e+05, v11;
	_ =	sdelay $0x1  }
0x20e: {  	v11 =	vadd.f32 v11, v12;
	_ =	sdelay $0x1  }
0x20f: {  	v12 =	vadd.f32 $5.000000000e-01, v11;
	_ =	sdelay $0x1  }
0x210: {  	v16 =	vmul.f32 $6.849315250e-04, v12;
	_ =	sdelay $0x1  }
0x211: {  	v63 =	vmul.f32 $2.737925750e-05, v12;
	v16 =	vtrunc.f32 v16  }
0x212: {  	v16 =	vcvt.f32.s32 v16  }
0x213: {  	v12 =	vmul.f32 $6.844814380e-06, v12;
	v23 =	vtrunc.f32 v63  }
0x214: {  	v23 =	vcvt.f32.s32 v23;
	v16 =	vcvt.s32.f32 v16  }
0x215: {  	v12 =	vtrunc.f32 v12  }
0x216: {  	v12 =	vcvt.f32.s32 v12;
	v23 =	vcvt.s32.f32 v23;
	v16 =	vsub.f32 v11, v16;
	_ =	sdelay $0x1  }
0x217: {  	v25 =	vmul.f32 @p2 $2.500000000e-01, v21;
	v12 =	vcvt.s32.f32 v12;
	v16 =	vadd.f32 v23, v16  }
0x218: {  	v21 =	vmul.f32 @p2 $9.999999770e-03, v21;
	v7 =	vtrunc.f32 @p1 v7  }
0x219: {  	v7 =	vcvt.f32.s32 @p1 v7;
	v23 =	vtrunc.f32 @p2 v25;
	v12 =	vsub.f32 v16, v12  }
0x21a: {  	v15 =	vcvt.f32.s32 @p1 v15;
	v23 =	vcvt.f32.s32 @p2 v23  }
0x21b: {  	v7 =	vcvt.s32.f32 @p1 v7;
	v16 =	vmul.f32 @p2 $3.650000000e+02, v19;
	v12 =	vadd.f32 $5.000000000e-01, v12  }
0x21c: {  	v19 =	vtrunc.f32 @p2 v21;
	v21 =	vcvt.s32.f32 @p2 v23  }
0x21d: {  	v18 =	vadd.s32 @p0 v18, v20;
	v19 =	vcvt.f32.s32 @p2 v19;
	v12 =	vmul.f32 $2.739726100e-03, v12  }
0x21e: {  	v3 =	vmul.f32 $1.428571490e-01, v3;
	v16 =	vadd.f32 @p2 v21, v16;
	v21 =	vadd.f32 @p1 $5.000000000e-01, v7  }
0x21f: {  	v2 =	vpsel p1, v5, v2;
	v19 =	vcvt.s32.f32 @p2 v19;
	v12 =	vtrunc.f32 v12  }
0x220: {  	v9 =	vmul.u32 @p2 $0x174, v9;
	v10 =	vpsel p1, v21, v10;
	v12 =	vcvt.f32.s32 v12  }
0x221: {  	v15 =	vmul.u32 @p1 $0xFFFFFFF9, v15;
	v16 =	vsub.f32 @p2 v19, v16;
	v20 =	vmul.f32 @p1 $2.500000000e-01, v10  }
0x222: {  	v7 =	vpsel p1, v7, v8;
	v10 =	vmul.f32 @p1 $9.999999770e-03, v10;
	v12 =	vcvt.s32.f32 v12  }
0x223: {  	v7 =	vmul.f32 @p1 $3.650000000e+02, v7;
	v16 =	vadd.f32 @p2 v16, v24;
	v8 =	vtrunc.f32 @p1 v20  }
0x224: {  	v10 =	vtrunc.f32 @p1 v10;
	v8 =	vcvt.f32.s32 @p1 v8;
	v20 =	vadd.f32 $5.000000000e-01, v12  }
0x225: {  	v19 =	vadd.f32 @p0 $2.000000000e+00, v22;
	v21 =	vmul.f32 @p2 $5.000000000e+00, v16;
	v10 =	vcvt.f32.s32 @p1 v10  }
0x226: {  	v14 =	vadd.s32 @p1 v15, v14;
	v8 =	vcvt.s32.f32 @p1 v8;
	v15 =	vmul.f32 $2.500000000e-01, v20  }
0x227: {  	v19 =	vadd.f32 @p0 $5.000000000e-01, v19;
	v21 =	vadd.f32 @p2 $2.000000000e+00, v21;
	v10 =	vcvt.s32.f32 @p1 v10  }
0x228: {  	v7 =	vadd.f32 @p1 v8, v7;
	v8 =	vtrunc.f32 v15;
	v15 =	vmul.f32 $9.999999770e-03, v20  }
0x229: {  	v19 =	vmul.f32 @p0 $2.000000030e-01, v19;
	v20 =	vadd.f32 @p2 $5.000000000e-01, v21;
	v8 =	vcvt.f32.s32 v8  }
0x22a: {  	v7 =	vsub.f32 @p1 v10, v7;
	v10 =	vmul.f32 $3.650000000e+02, v12;
	v12 =	vtrunc.f32 v15  }
0x22b: {  	v18 =	vmul.u32 @p0 $0x1F, v18;
	v5 =	vcvt.s32.f32 v8;
	v8 =	vcvt.f32.s32 v12  }
0x22c: {  	v15 =	vmul.f32 @p2 $6.535947790e-03, v20;
	v2 =	vadd.f32 @p1 v7, v2;
	v12 =	vtrunc.f32 @p0 v19  }
0x22d: {  	v7 =	vcvt.f32.s32 @p0 v12;
	v5 =	vadd.f32 v5, v10;
	v8 =	vcvt.s32.f32 v8  }
0x22e: {  	v12 =	vtrunc.f32 @p2 v15;
	v10 =	vadd.s32 @p0 v13, v17;
	v13 =	vmul.f32 @p1 $5.000000000e+00, v2  }
0x22f: {  	v3 =	vtrunc.f32 v3;
	v12 =	vcvt.f32.s32 @p2 v12;
	v5 =	vsub.f32 v8, v5  }
0x230: {  	v9 =	vpsel p2, v9, v0;
	v3 =	vcvt.f32.s32 v3;
	v8 =	vadd.f32 @p1 $2.000000000e+00, v13  }
0x231: {  	v14 =	vadd.s32 @p1 $0x3, v14;
	v13 =	vcvt.s32.f32 @p2 v12;
	v5 =	vadd.f32 v5, v11  }
0x232: {  	v3 =	vmul.u32 $0xFFFFFFF9, v3;
	v6 =	vpsel p1, v14, v6;
	v8 =	vadd.f32 @p1 $5.000000000e-01, v8  }
0x233: {  	v10 =	vadd.s32 @p0 v18, v10;
	v11 =	vmul.f32 @p2 $1.530000000e+02, v13;
	v13 =	vmul.f32 $5.000000000e+00, v5  }
0x234: {  	v3 =	vadd.s32 v3, v4;
	v7 =	vsub.s32 @p0 v10, v7;
	v8 =	vmul.f32 @p1 $6.535947790e-03, v8  }
0x235: {  	v10 =	vtrunc.f32 @p2 v16;
	v11 =	vpsel p2, v11, v0;
	v13 =	vadd.f32 $2.000000000e+00, v13  }
0x236: {  	vm0 =	vlt.s32 @p2 v12, $0xA;
	v11 =	vadd.f32 @p2 $2.000000000e+00, v11;
	v8 =	vtrunc.f32 @p1 v8  }
0x237: {  	v12 =	vpsel p2, v12, v0;
	v8 =	vcvt.f32.s32 @p1 v8;
	v13 =	vadd.f32 $5.000000000e-01, v13  }
0x238: {  	v10 =	vcvt.f32.s32 @p2 v10;
	v15 =	vsel @p2 vm0, $0x2, v1;
	v11 =	vadd.f32 @p2 $5.000000000e-01, v11  }
0x239: {  	v15 =	vpsel p2, v15, v0;
	v14 =	vcvt.s32.f32 @p1 v8;
	v13 =	vmul.f32 $6.535947790e-03, v13  }
0x23a: {  	v10 =	vpsel p2, v10, v0;
	v12 =	vadd.s32 @p2 v12, v15;
	v11 =	vmul.f32 @p2 $2.000000030e-01, v11  }
0x23b: {  	v12 =	vmul.u32 @p2 $0x1F, v12;
	v14 =	vmul.f32 @p1 $1.530000000e+02, v14;
	v13 =	vtrunc.f32 v13  }
0x23c: {  	v9 =	vadd.s32 @p2 v10, v9;
	v4 =	vtrunc.f32 @p2 v11;
	v11 =	vcvt.f32.s32 v13  }
0x23d: {  	v2 =	vtrunc.f32 @p1 v2;
	v9 =	vadd.s32 @p2 v12, v9;
	v10 =	vpsel p1, v14, v0  }
0x23e: {  	v4 =	vcvt.f32.s32 @p2 v4;
	v10 =	vadd.f32 @p1 $2.000000000e+00, v10;
	v12 =	vcvt.s32.f32 v11  }
0x23f: {  	v6 =	vmul.u32 @p1 $0x174, v6;
	v3 =	vadd.s32 $0x3, v3;
	v2 =	vcvt.f32.s32 @p1 v2  }
0x240: {  	v4 =	vsub.s32 @p2 v9, v4;
	v9 =	vadd.f32 @p1 $5.000000000e-01, v10;
	v10 =	vmul.f32 $1.530000000e+02, v12  }
0x241: {  	v6 =	vpsel p1, v6, v0;
	v3 =	vmul.u32 $0x174, v3  }
0x242: {  	v2 =	vpsel p1, v2, v0;
	v5 =	vtrunc.f32 v5;
	v10 =	vadd.f32 $2.000000000e+00, v10  }
0x243: {  	v2 =	vadd.s32 @p1 v2, v6;
	v5 =	vcvt.f32.s32 v5;
	vm0 =	vlt.s32 @p1 v8, $0xA  }
0x244: {  	v8 =	vpsel p1, v8, v0;
	v12 =	vsel @p1 vm0, $0x2, v1;
	v10 =	vadd.f32 $5.000000000e-01, v10  }
0x245: {  	vm10 =	vlt.s32 v11, $0xA;
	v12 =	vpsel p1, v12, v0;
	v9 =	vmul.f32 @p1 $2.000000030e-01, v9  }
0x246: {  	v8 =	vadd.s32 @p1 v8, v12;
	v12 =	vsel vm10, $0x2, v1;
	v10 =	vmul.f32 $2.000000030e-01, v10  }
0x247: {  	s0 =	smov.u32 @p1 s29;
	v9 =	vtrunc.f32 @p1 v9;
	v8 =	vmul.u32 @p1 $0x1F, v8;
	v11 =	vadd.s32 v11, v12  }
0x248: {  	s1 =	smov.u32 @p2 s31;
	s26 =	smov.u32 @p1 s0;
	v9 =	vcvt.f32.s32 @p1 v9;
	v6 =	vmul.u32 $0x1F, v11;
	v10 =	vtrunc.f32 v10  }
0x249: {  	s0 =	smov.u32 @p2 s1;
	s1 =	smov.u32 @p1 s26;
	[tilespmem:s30+$0x300] =	vst @p0 v7;
	v3 =	vadd.s32 v5, v3;
	v2 =	vadd.s32 @p1 v8, v2;
	v7 =	vcvt.f32.s32 v10  }
0x24a: {  	[tilespmem:s0+$0x300] =	vst @p2 v4;
	s0 =	smov.u32 @p1 s1;
	v2 =	vsub.s32 @p1 v2, v9;
	v3 =	vadd.s32 v6, v3  }
0x24b: {  	[tilespmem:s0+$0x300] =	vst @p1 v2;
	v2 =	vsub.s32 v3, v7  }
0x24c: {  	s26 =	simm.s32 $0x0;
	[tilespmem:s28+$0x300] =	vst v2  }
0x24d: {  	v2 =	vld [tilespmem:s26+$0x180];
	_ =	sdelay $0x4  }
0x24e: {  	v3 =	vcvt.s32.f32 v2;
	_ =	sdelay $0x1  }
0x24f: {  	v3 =	vmul.f32 $1.157407410e-05, v3;
	_ =	sdelay $0x1  }
0x250: {  	v3 =	vtrunc.f32 v3  }
0x251: {  	v3 =	vcvt.f32.s32 v3;
	_ =	sdelay $0x1  }
0x252: {  	v4 =	vmul.u32 $0xFFFEAE80, v3;
	_ =	sdelay $0x1  }
0x253: {  	v2 =	vadd.s32 v2, v4  }
0x254: {  	s28 =	simm.s32 $0x10;
	vm11 =	vgt.s32 v2, $0x1517F;
	v2 =	vshra.s32 v2, $0x1F  }
0x255: {  	v4 =	vsel vm11, $0x1, v0;
	v2 =	vadd.s32 v3, v2;
	v3 =	vld [tilespmem:s28+$0x180]  }
0x256: {  	v4 =	vadd.s32 v4, v2  }
0x257: {  	v2 =	vcvt.s32.f32 v4;
	_ =	sdelay $0x1  }
0x258: {  	v5 =	vadd.f32 $7.194680000e+05, v2  }
0x259: {  	v6 =	vcvt.s32.f32 v3  }
0x25a: {  	v7 =	vadd.f32 $5.000000000e-01, v5  }
0x25b: {  	v6 =	vmul.f32 $1.157407410e-05, v6  }
0x25c: {  	v7 =	vmul.f32 $6.844767540e-06, v7  }
0x25d: {  	v6 =	vtrunc.f32 v6  }
0x25e: {  	v7 =	vtrunc.f32 v7;
	v6 =	vcvt.f32.s32 v6  }
0x25f: {  	v7 =	vcvt.f32.s32 v7  }
0x260: {  	v8 =	vmul.u32 $0xFFFEAE80, v6  }
0x261: {  	s29 =	simm.s32 $0x20;
	v7 =	vcvt.s32.f32 v7  }
0x262: {  	v10 =	vld [tilespmem:s29+$0x180];
	v3 =	vadd.s32 v3, v8  }
0x263: {  	v7 =	vmul.f32 $-1.460970000e+05, v7;
	vm12 =	vgt.s32 v3, $0x1517F;
	v3 =	vshra.s32 v3, $0x1F  }
0x264: {  	v8 =	vsel vm12, $0x1, v0;
	v3 =	vadd.s32 v6, v3  }
0x265: {  	v6 =	vadd.f32 v7, v5;
	v7 =	vadd.s32 v8, v3  }
0x266: {  	v5 =	vcvt.s32.f32 v7  }
0x267: {  	v13 =	vcvt.s32.f32 v10  }
0x268: {  	v8 =	vadd.f32 $7.194680000e+05, v5  }
0x269: {  	v13 =	vmul.f32 $1.157407410e-05, v13;
	v3 =	vadd.f32 $5.000000000e-01, v6  }
0x26a: {  	v12 =	vadd.f32 $5.000000000e-01, v8  }
0x26b: {  	v13 =	vtrunc.f32 v13;
	v9 =	vmul.f32 $6.849315250e-04, v3  }
0x26c: {  	v11 =	vmul.f32 $6.844814380e-06, v3;
	v12 =	vmul.f32 $6.844767540e-06, v12  }
0x26d: {  	v3 =	vmul.f32 $2.737925750e-05, v3;
	v9 =	vtrunc.f32 v9  }
0x26e: {  	v9 =	vcvt.f32.s32 v9;
	v12 =	vtrunc.f32 v12  }
0x26f: {  	v3 =	vtrunc.f32 v3;
	v12 =	vcvt.f32.s32 v12  }
0x270: {  	v3 =	vcvt.f32.s32 v3;
	v9 =	vcvt.s32.f32 v9  }
0x271: {  	v11 =	vtrunc.f32 v11;
	v12 =	vcvt.s32.f32 v12  }
0x272: {  	v11 =	vcvt.f32.s32 v11;
	v3 =	vcvt.s32.f32 v3;
	v9 =	vsub.f32 v6, v9  }
0x273: {  	v13 =	vcvt.f32.s32 v13;
	v12 =	vmul.f32 $-1.460970000e+05, v12  }
0x274: {  	v11 =	vcvt.s32.f32 v11;
	v9 =	vadd.f32 v3, v9  }
0x275: {  	v3 =	vadd.f32 v12, v8;
	v8 =	vmul.u32 $0xFFFEAE80, v13  }
0x276: {  	v9 =	vsub.f32 v9, v11  }
0x277: {  	v11 =	vadd.f32 $3.000000000e+00, v2;
	v2 =	vadd.f32 $5.000000000e-01, v3;
	v8 =	vadd.s32 v10, v8  }
0x278: {  	v9 =	vadd.f32 $5.000000000e-01, v9;
	vm13 =	vgt.s32 v8, $0x1517F;
	v8 =	vshra.s32 v8, $0x1F  }
0x279: {  	v10 =	vmul.f32 $6.849315250e-04, v2;
	v12 =	vsel vm13, $0x1, v0;
	v8 =	vadd.s32 v13, v8  }
0x27a: {  	v13 =	vmul.f32 $6.844814380e-06, v2;
	v14 =	vmul.f32 $2.737925750e-05, v2;
	v2 =	vadd.s32 v12, v8  }
0x27b: {  	v8 =	vtrunc.f32 v10;
	v10 =	vcvt.s32.f32 v2  }
0x27c: {  	v11 =	vadd.f32 $5.000000000e-01, v11;
	v9 =	vmul.f32 $2.739726100e-03, v9;
	v8 =	vcvt.f32.s32 v8  }
0x27d: {  	v12 =	vtrunc.f32 v13;
	v13 =	vtrunc.f32 v14;
	v14 =	vadd.f32 $7.194680000e+05, v10  }
0x27e: {  	v13 =	vcvt.f32.s32 v13;
	v8 =	vcvt.s32.f32 v8  }
0x27f: {  	v11 =	vmul.f32 $1.428571490e-01, v11;
	v9 =	vtrunc.f32 v9;
	v15 =	vadd.f32 $5.000000000e-01, v14  }
0x280: {  	v12 =	vcvt.f32.s32 v12;
	v13 =	vcvt.s32.f32 v13;
	v8 =	vsub.f32 v3, v8  }
0x281: {  	v5 =	vadd.f32 $3.000000000e+00, v5;
	v9 =	vcvt.f32.s32 v9;
	v15 =	vmul.f32 $6.844767540e-06, v15  }
0x282: {  	v11 =	vtrunc.f32 v11;
	v12 =	vcvt.s32.f32 v12;
	v8 =	vadd.f32 v13, v8  }
0x283: {  	v5 =	vadd.f32 $5.000000000e-01, v5;
	v9 =	vcvt.s32.f32 v9;
	v13 =	vtrunc.f32 v15  }
0x284: {  	v11 =	vcvt.f32.s32 v11;
	v8 =	vsub.f32 v8, v12;
	v12 =	vcvt.f32.s32 v13  }
0x285: {  	s30 =	simm.s32 $0x30;
	v5 =	vmul.f32 $1.428571490e-01, v5;
	v13 =	vadd.f32 $5.000000000e-01, v9  }
0x286: {  	v11 =	vmul.u32 $0xFFFFFFF9, v11;
	v15 =	vld [tilespmem:s30+$0x180];
	v8 =	vadd.f32 $5.000000000e-01, v8;
	v12 =	vcvt.s32.f32 v12  }
0x287: {  	v16 =	vtrunc.f32 v5;
	v5 =	vmul.f32 $2.500000000e-01, v13  }
0x288: {  	v4 =	vadd.s32 v11, v4;
	v11 =	vmul.f32 $2.739726100e-03, v8;
	v8 =	vmul.f32 $-1.460970000e+05, v12  }
0x289: {  	v17 =	vadd.s32 $0x3, v4;
	v4 =	vtrunc.f32 v5;
	v12 =	vmul.f32 $9.999999770e-03, v13  }
0x28a: {  	v9 =	vmul.f32 $3.650000000e+02, v9;
	v4 =	vcvt.f32.s32 v4;
	v5 =	vadd.f32 v8, v14  }
0x28b: {  	v8 =	vadd.f32 $3.000000000e+00, v10;
	v10 =	vtrunc.f32 v12;
	v12 =	vcvt.s32.f32 v15  }
0x28c: {  	v4 =	vcvt.s32.f32 v4;
	v10 =	vcvt.f32.s32 v10;
	v13 =	vadd.f32 $5.000000000e-01, v5  }
0x28d: {  	v18 =	vadd.f32 $5.000000000e-01, v8;
	v8 =	vcvt.f32.s32 v16;
	v12 =	vmul.f32 $1.157407410e-05, v12  }
0x28e: {  	v4 =	vadd.f32 v4, v9;
	v10 =	vcvt.s32.f32 v10;
	v9 =	vmul.f32 $6.849315250e-04, v13  }
0x28f: {  	v8 =	vmul.u32 $0xFFFFFFF9, v8;
	v12 =	vtrunc.f32 v12;
	v14 =	vmul.f32 $6.844814380e-06, v13  }
0x290: {  	v13 =	vmul.f32 $2.737925750e-05, v13;
	v12 =	vcvt.f32.s32 v12;
	v4 =	vsub.f32 v10, v4  }
0x291: {  	v7 =	vadd.s32 v8, v7;
	v8 =	vtrunc.f32 v9;
	v9 =	vtrunc.f32 v14  }
0x292: {  	v13 =	vtrunc.f32 v13;
	v10 =	vmul.u32 $0xFFFEAE80, v12;
	v14 =	vadd.f32 v4, v6  }
0x293: {  	v4 =	vadd.s32 $0x3, v7;
	v6 =	vcvt.f32.s32 v8;
	v7 =	vcvt.f32.s32 v13  }
0x294: {  	v9 =	vcvt.f32.s32 v9;
	v8 =	vadd.s32 v15, v10;
	v10 =	vmul.f32 $5.000000000e+00, v14  }
0x295: {  	v13 =	vcvt.s32.f32 v6;
	vm14 =	vgt.s32 v8, $0x1517F;
	v8 =	vshra.s32 v8, $0x1F  }
0x296: {  	v6 =	vsel vm14, $0x1, v0;
	v8 =	vadd.s32 v12, v8;
	v10 =	vadd.f32 $2.000000000e+00, v10  }
0x297: {  	v7 =	vcvt.s32.f32 v7;
	v6 =	vadd.s32 v6, v8;
	v8 =	vsub.f32 v5, v13  }
0x298: {  	v13 =	vtrunc.f32 v14;
	v12 =	vcvt.s32.f32 v6;
	v10 =	vadd.f32 $5.000000000e-01, v10  }
0x299: {  	v9 =	vcvt.s32.f32 v9;
	v7 =	vadd.f32 v7, v8;
	v8 =	vcvt.f32.s32 v13  }
0x29a: {  	v13 =	vmul.f32 $1.428571490e-01, v18;
	v14 =	vadd.f32 $7.194680000e+05, v12;
	v10 =	vmul.f32 $6.535947790e-03, v10  }
0x29b: {  	v15 =	vadd.f32 $3.000000000e+00, v12;
	v7 =	vsub.f32 v7, v9;
	v9 =	vtrunc.f32 v11  }
0x29c: {  	v16 =	vadd.f32 $5.000000000e-01, v14;
	v9 =	vcvt.f32.s32 v9;
	v10 =	vtrunc.f32 v10  }
0x29d: {  	v12 =	vtrunc.f32 v13;
	v7 =	vadd.f32 $5.000000000e-01, v7;
	v11 =	vcvt.f32.s32 v10  }
0x29e: {  	v13 =	vmul.f32 $6.844767540e-06, v16;
	v16 =	vcvt.s32.f32 v9;
	v9 =	vmul.u32 $0x174, v17  }
0x29f: {  	v10 =	vmul.f32 $2.739726100e-03, v7;
	v19 =	vcvt.s32.f32 v11;
	vm15 =	vlt.s32 v11, $0xA  }
0x2a0: {  	v7 =	vadd.f32 $5.000000000e-01, v15;
	v18 =	vtrunc.f32 v13;
	v17 =	vadd.f32 $5.000000000e-01, v16  }
0x2a1: {  	s0 =	simm.s32 $0x100;
	v13 =	vsel vm15, $0x2, v1;
	v18 =	vcvt.f32.s32 v18;
	v15 =	vmul.f32 $1.530000000e+02, v19  }
.LBB2_24:
0x2a2: {  	s1 =	sshra.s32 s0, $0x2;
	p0 =	sne.s32 s0, $0x1C0;
	s0 =	sadd.s32 $0x40, s0;
	v12 =	vcvt.f32.s32 v12;
	v19 =	vmul.f32 $2.500000000e-01, v17;
	v11 =	vadd.s32 v11, v13  }
0x2a3: {  	v13 =	vld [tilespmem:s1+$0x180];
	v18 =	vcvt.s32.f32 v18;
	v15 =	vadd.f32 $2.000000000e+00, v15;
	v11 =	vmul.u32 $0x1F, v11  }
0x2a4: {  	v17 =	vmul.f32 $9.999999770e-03, v17;
	v12 =	vmul.u32 $0xFFFFFFF9, v12;
	v19 =	vtrunc.f32 v19  }
0x2a5: {  	v18 =	vmul.f32 $-1.460970000e+05, v18;
	v19 =	vcvt.f32.s32 v19;
	v15 =	vadd.f32 $5.000000000e-01, v15  }
0x2a6: {  	v16 =	vmul.f32 $3.650000000e+02, v16;
	v17 =	vtrunc.f32 v17;
	v12 =	vadd.s32 v12, v2;
	v2 =	vmovc v6  }
0x2a7: {  	v6 =	vadd.f32 v18, v14;
	v14 =	vcvt.s32.f32 v19;
	v15 =	vmul.f32 $2.000000030e-01, v15  }
0x2a8: {  	v19 =	vadd.s32 $0x3, v12;
	v12 =	vcvt.f32.s32 v17;
	v18 =	vcvt.s32.f32 v13  }
0x2a9: {  	v17 =	vadd.f32 $5.000000000e-01, v6;
	v14 =	vadd.f32 v14, v16;
	v15 =	vtrunc.f32 v15  }
0x2aa: {  	v8 =	vadd.s32 v8, v9;
	v16 =	vmul.f32 $1.157407410e-05, v18;
	v15 =	vcvt.f32.s32 v15  }
0x2ab: {  	v8 =	vadd.s32 v11, v8;
	v12 =	vcvt.s32.f32 v12;
	v9 =	vmul.f32 $6.849315250e-04, v17  }
0x2ac: {  	v11 =	vtrunc.f32 v16;
	v16 =	vmul.f32 $6.844814380e-06, v17;
	v8 =	vsub.s32 v8, v15  }
0x2ad: {  	v12 =	vsub.f32 v12, v14;
	v15 =	vmul.f32 $2.737925750e-05, v17;
	v11 =	vcvt.f32.s32 v11;
	[tilespmem:s26+$0x380] =	vst v8;
	s26 =	smov.u32 s28;
	s28 =	smov.u32 s29;
	s29 =	smov.u32 s30  }
0x2ae: {  	v8 =	vtrunc.f32 v9;
	s30 =	smov.u32 s1;
	v9 =	vtrunc.f32 v16  }
0x2af: {  	v12 =	vadd.f32 v12, v3;
	v3 =	vmovc v5;
	v5 =	vmovc v6;
	v15 =	vtrunc.f32 v15;
	v14 =	vmul.u32 $0xFFFEAE80, v11  }
0x2b0: {  	v6 =	vcvt.f32.s32 v8;
	v8 =	vcvt.f32.s32 v15  }
0x2b1: {  	v9 =	vcvt.f32.s32 v9;
	v13 =	vadd.s32 v13, v14;
	v14 =	vmul.f32 $5.000000000e+00, v12  }
0x2b2: {  	v15 =	vcvt.s32.f32 v6;
	vm0 =	vgt.s32 v13, $0x1517F;
	v13 =	vshra.s32 v13, $0x1F  }
0x2b3: {  	v6 =	vsel vm0, $0x1, v0;
	v11 =	vadd.s32 v11, v13;
	v13 =	vadd.f32 $2.000000000e+00, v14  }
0x2b4: {  	v8 =	vcvt.s32.f32 v8;
	v6 =	vadd.s32 v6, v11;
	v11 =	vsub.f32 v5, v15  }
0x2b5: {  	v12 =	vtrunc.f32 v12;
	v15 =	vcvt.s32.f32 v6;
	v13 =	vadd.f32 $5.000000000e-01, v13  }
0x2b6: {  	v9 =	vcvt.s32.f32 v9;
	v11 =	vadd.f32 v8, v11;
	v8 =	vcvt.f32.s32 v12  }
0x2b7: {  	v7 =	vmul.f32 $1.428571490e-01, v7;
	v14 =	vadd.f32 $7.194680000e+05, v15;
	v12 =	vmul.f32 $6.535947790e-03, v13  }
0x2b8: {  	v10 =	vtrunc.f32 v10;
	v15 =	vadd.f32 $3.000000000e+00, v15;
	v9 =	vsub.f32 v11, v9  }
0x2b9: {  	v10 =	vcvt.f32.s32 v10;
	v13 =	vadd.f32 $5.000000000e-01, v14;
	v11 =	vtrunc.f32 v12  }
.Ltmp11:
0x2ba: {  	v12 =	vtrunc.f32 v7;
	v7 =	vadd.f32 $5.000000000e-01, v9;
	v11 =	vcvt.f32.s32 v11;
	(pc) =	sbr.rel @p0 .LBB2_24-.Ltmp11, $4  }
0x2bb: {  	v16 =	vcvt.s32.f32 v10;
	v9 =	vmul.u32 $0x174, v4;
	v4 =	vmovc v19;
	v13 =	vmul.f32 $6.844767540e-06, v13  }
0x2bc: {  	v10 =	vmul.f32 $2.739726100e-03, v7;
	v19 =	vcvt.s32.f32 v11;
	vm0 =	vlt.s32 v11, $0xA  }
0x2bd: {  	v17 =	vadd.f32 $5.000000000e-01, v16;
	v18 =	vtrunc.f32 v13;
	v13 =	vsel vm0, $0x2, v1  }
0x2be: {  	v7 =	vadd.f32 $5.000000000e-01, v15;
	v18 =	vcvt.f32.s32 v18;
	v15 =	vmul.f32 $1.530000000e+02, v19  }
0x2bf: {  	_ = 	snop  }
0x2c0: {  	v18 =	vcvt.s32.f32 v18;
	_ =	sdelay $0x1  }
0x2c1: {  	v18 =	vmul.f32 $-1.460970000e+05, v18;
	_ =	sdelay $0x1  }
0x2c2: {  	v14 =	vadd.f32 v18, v14;
	_ =	sdelay $0x1  }
0x2c3: {  	v18 =	vadd.f32 $5.000000000e-01, v14;
	_ =	sdelay $0x1  }
0x2c4: {  	v19 =	vmul.f32 $6.849315250e-04, v18;
	_ =	sdelay $0x1  }
0x2c5: {  	v20 =	vmul.f32 $2.737925750e-05, v18;
	v19 =	vtrunc.f32 v19  }
0x2c6: {  	v19 =	vcvt.f32.s32 v19  }
0x2c7: {  	v18 =	vmul.f32 $6.844814380e-06, v18;
	v20 =	vtrunc.f32 v20  }
0x2c8: {  	v20 =	vcvt.f32.s32 v20;
	v19 =	vcvt.s32.f32 v19  }
0x2c9: {  	v18 =	vtrunc.f32 v18  }
0x2ca: {  	v18 =	vcvt.f32.s32 v18;
	v20 =	vcvt.s32.f32 v20;
	v19 =	vsub.f32 v14, v19;
	_ =	sdelay $0x1  }
0x2cb: {  	v21 =	vmul.f32 $2.500000000e-01, v17;
	v18 =	vcvt.s32.f32 v18;
	v19 =	vadd.f32 v20, v19  }
0x2cc: {  	v28 =	vmul.f32 $9.999999770e-03, v17  }
0x2cd: {  	v16 =	vmul.f32 $3.650000000e+02, v16;
	v21 =	vtrunc.f32 v21;
	v18 =	vsub.f32 v19, v18  }
0x2ce: {  	v10 =	vtrunc.f32 v10;
	v29 =	vcvt.f32.s32 v21  }
0x2cf: {  	v10 =	vcvt.f32.s32 v10;
	v17 =	vtrunc.f32 v28;
	v18 =	vadd.f32 $5.000000000e-01, v18  }
0x2d0: {  	v17 =	vcvt.f32.s32 v17;
	v30 =	vcvt.s32.f32 v29  }
0x2d1: {  	v18 =	vmul.f32 $2.739726100e-03, v18  }
0x2d2: {  	v10 =	vcvt.s32.f32 v10;
	v17 =	vcvt.s32.f32 v17;
	v16 =	vadd.f32 v30, v16  }
0x2d3: {  	v31 =	vtrunc.f32 v18  }
0x2d4: {  	v32 =	vadd.f32 $5.000000000e-01, v10;
	v16 =	vsub.f32 v17, v16;
	v17 =	vcvt.f32.s32 v31;
	_ =	sdelay $0x1  }
0x2d5: {  	v33 =	vmul.f32 $2.500000000e-01, v32;
	v17 =	vcvt.s32.f32 v17  }
0x2d6: {  	v12 =	vcvt.f32.s32 v12;
	v10 =	vmul.f32 $3.650000000e+02, v10;
	v3 =	vadd.f32 v16, v3  }
0x2d7: {  	v16 =	vtrunc.f32 v33;
	v18 =	vmul.f32 $9.999999770e-03, v32;
	v35 =	vadd.f32 $5.000000000e-01, v17  }
0x2d8: {  	v16 =	vcvt.f32.s32 v16;
	v34 =	vmul.f32 $5.000000000e+00, v3  }
0x2d9: {  	v18 =	vtrunc.f32 v18;
	v36 =	vmul.f32 $2.500000000e-01, v35  }
0x2da: {  	v16 =	vcvt.s32.f32 v16;
	v18 =	vcvt.f32.s32 v18  }
0x2db: {  	v20 =	vmul.f32 $9.999999770e-03, v35;
	v21 =	vtrunc.f32 v36  }
0x2dc: {  	v37 =	vcvt.s32.f32 v18;
	v38 =	vcvt.f32.s32 v21  }
0x2dd: {  	v17 =	vmul.f32 $3.650000000e+02, v17;
	v20 =	vtrunc.f32 v20  }
0x2de: {  	v10 =	vadd.f32 v16, v10;
	v40 =	vcvt.f32.s32 v20;
	v39 =	vcvt.s32.f32 v38  }
0x2df: {  	v11 =	vadd.s32 v11, v13;
	v8 =	vadd.s32 v8, v9;
	v19 =	vadd.f32 $2.000000000e+00, v34  }
0x2e0: {  	v10 =	vsub.f32 v37, v10;
	v42 =	vcvt.s32.f32 v40;
	v41 =	vadd.f32 v39, v17  }
0x2e1: {  	v15 =	vadd.f32 $2.000000000e+00, v15;
	v7 =	vmul.f32 $1.428571490e-01, v7;
	v19 =	vadd.f32 $5.000000000e-01, v19  }
0x2e2: {  	v4 =	vmul.u32 $0x174, v4;
	v5 =	vadd.f32 v10, v5;
	v10 =	vsub.f32 v42, v41  }
0x2e3: {  	v11 =	vmul.u32 $0x1F, v11;
	v7 =	vtrunc.f32 v7;
	v43 =	vmul.f32 $6.535947790e-03, v19  }
0x2e4: {  	v12 =	vmul.u32 $0xFFFFFFF9, v12;
	v7 =	vcvt.f32.s32 v7;
	v10 =	vadd.f32 v10, v14  }
0x2e5: {  	v15 =	vadd.f32 $5.000000000e-01, v15;
	v45 =	vtrunc.f32 v43;
	v44 =	vmul.f32 $5.000000000e+00, v5  }
0x2e6: {  	v8 =	vadd.s32 v11, v8;
	v16 =	vcvt.f32.s32 v45;
	v48 =	vmul.f32 $5.000000000e+00, v10  }
0x2e7: {  	v2 =	vadd.s32 v12, v2;
	v15 =	vmul.f32 $2.000000030e-01, v15;
	v13 =	vadd.f32 $2.000000000e+00, v44  }
0x2e8: {  	v7 =	vmul.u32 $0xFFFFFFF9, v7;
	v47 =	vcvt.s32.f32 v16;
	v50 =	vadd.f32 $2.000000000e+00, v48  }
0x2e9: {  	v2 =	vadd.s32 $0x3, v2;
	v46 =	vtrunc.f32 v15;
	v13 =	vadd.f32 $5.000000000e-01, v13  }
0x2ea: {  	v6 =	vadd.s32 v7, v6;
	v49 =	vmul.f32 $1.530000000e+02, v47;
	v52 =	vadd.f32 $5.000000000e-01, v50  }
0x2eb: {  	v12 =	vcvt.f32.s32 v46;
	v6 =	vadd.s32 $0x3, v6;
	v13 =	vmul.f32 $6.535947790e-03, v13  }
0x2ec: {  	v3 =	vtrunc.f32 v3;
	v9 =	vadd.f32 $2.000000000e+00, v49;
	v53 =	vmul.f32 $6.535947790e-03, v52  }
0x2ed: {  	v8 =	vsub.s32 v8, v12;
	v3 =	vcvt.f32.s32 v3;
	v51 =	vtrunc.f32 v13  }
0x2ee: {  	v9 =	vadd.f32 $5.000000000e-01, v9;
	v11 =	vcvt.f32.s32 v51;
	v12 =	vtrunc.f32 v53  }
0x2ef: {  	v2 =	vmul.u32 $0x174, v2;
	v6 =	vmul.u32 $0x174, v6;
	v12 =	vcvt.f32.s32 v12  }
0x2f0: {  	v3 =	vadd.s32 v3, v4;
	v9 =	vmul.f32 $2.000000030e-01, v9;
	v54 =	vcvt.s32.f32 v11  }
0x2f1: {  	vm0 =	vlt.s32 v16, $0xA;
	v5 =	vtrunc.f32 v5;
	v56 =	vcvt.s32.f32 v12  }
0x2f2: {  	v55 =	vsel vm0, $0x2, v1;
	v5 =	vcvt.f32.s32 v5;
	v13 =	vmul.f32 $1.530000000e+02, v54  }
0x2f3: {  	v9 =	vtrunc.f32 v9;
	v14 =	vadd.s32 v16, v55;
	v59 =	vmul.f32 $1.530000000e+02, v56  }
0x2f4: {  	v57 =	vcvt.f32.s32 v9;
	v14 =	vmul.u32 $0x1F, v14;
	v13 =	vadd.f32 $2.000000000e+00, v13  }
0x2f5: {  	v2 =	vadd.s32 v5, v2;
	v10 =	vtrunc.f32 v10;
	v60 =	vadd.f32 $2.000000000e+00, v59  }
0x2f6: {  	v3 =	vadd.s32 v14, v3;
	v10 =	vcvt.f32.s32 v10;
	v58 =	vadd.f32 $5.000000000e-01, v13  }
0x2f7: {  	v3 =	vsub.s32 v3, v57;
	vm14 =	vlt.s32 v11, $0xA;
	v7 =	vadd.f32 $5.000000000e-01, v60  }
0x2f8: {  	v61 =	vsel vm14, $0x2, v1;
	v4 =	vmul.f32 $2.000000030e-01, v58;
	vm15 =	vlt.s32 v12, $0xA  }
0x2f9: {  	v9 =	vadd.s32 v11, v61;
	v62 =	vsel vm15, $0x2, v1;
	v7 =	vmul.f32 $2.000000030e-01, v7  }
0x2fa: {  	v9 =	vmul.u32 $0x1F, v9;
	v4 =	vtrunc.f32 v4;
	v11 =	vadd.s32 v12, v62  }
0x2fb: {  	v4 =	vcvt.f32.s32 v4;
	v63 =	vmul.u32 $0x1F, v11;
	v7 =	vtrunc.f32 v7  }
0x2fc: {  	[tilespmem:s26+$0x380] =	vst v8;
	v6 =	vadd.s32 v10, v6;
	v2 =	vadd.s32 v9, v2;
	v7 =	vcvt.f32.s32 v7  }
0x2fd: {  	[tilespmem:s28+$0x380] =	vst v3;
	v2 =	vsub.s32 v2, v4;
	v3 =	vadd.s32 v63, v6  }
0x2fe: {  	[tilespmem:s29+$0x380] =	vst v2;
	v2 =	vsub.s32 v3, v7  }
0x2ff: {  	[tilespmem:s30+$0x380] =	vst v2  }
0x300: {  	_ =	swait.ge [sflag:s14], $0xA80  }
0x301: {  	[sflag:s14] =	ssyncset.done $0x0  }
0x302: {  	[sflag:s14] =	ssyncadd.s32 $0xFFFFF580  }
0x303: {  	[bflag:$0x0] =	sbarrier.arrive $0xFFFF  }
0x304: {  	[tilespmem:s17], [sflag:$0x1] =	stream.indirect.gather [spmem:s2], $0x80, s16, s15, $0xb8;
	[tilespmem:$0x15800] =	vst v63  }
0x305: {  	_ = 	snop  }
0x306: {  	[tilespmem:s19], [sflag:$0x1] =	stream.indirect.gather [spmem:s2], $0x80, s18, s15, $0xb8;
	[tilespmem:$0x15800] =	vst v63  }
0x307: {  	_ = 	snop  }
0x308: {  	[tilespmem:s21], [sflag:$0x1] =	stream.indirect.gather [spmem:s2], $0x80, s20, s15, $0xb8;
	[tilespmem:$0x15800] =	vst v63  }
0x309: {  	_ = 	snop  }
0x30a: {  	[tilespmem:s23], [sflag:$0x1] =	stream.indirect.gather [spmem:s2], $0x80, s22, s15, $0xb8;
	[tilespmem:$0x15800] =	vst v63  }
0x30b: {  	_ =	swait.ge [sflag:s14], $0x4000  }
0x30c: {  	[sflag:s14] =	ssyncset.done $0x0  }
0x30d: {  	[sflag:s14] =	ssyncadd.s32 $0xFFFFC000  }
0x30e: {  	[hbm4b:s7+s3] =	stream.linear.scatter [tilespmem:s17], [sflag:$0x2], $0x4000, $0x38;
	[tilespmem:$0x15800] =	vst v63  }
0x30f: {  	_ =	swait.ge [sflag:s14], $0x4000  }
0x310: {  	[sflag:s14] =	ssyncset.done $0x0  }
0x311: {  	[sflag:s14] =	ssyncadd.s32 $0xFFFFC000  }
0x312: {  	[hbm4b:s8+s3] =	stream.linear.scatter [tilespmem:s19], [sflag:$0x2], $0x4000, $0x38;
	[tilespmem:$0x15800] =	vst v63  }
0x313: {  	_ =	swait.ge [sflag:s14], $0x4000  }
0x314: {  	[sflag:s14] =	ssyncset.done $0x0  }
0x315: {  	[sflag:s14] =	ssyncadd.s32 $0xFFFFC000  }
0x316: {  	[hbm4b:s9+s3] =	stream.linear.scatter [tilespmem:s21], [sflag:$0x2], $0x4000, $0x38;
	[tilespmem:$0x15800] =	vst v63  }
0x317: {  	_ =	swait.ge [sflag:s14], $0x4000  }
0x318: {  	[sflag:s14] =	ssyncset.done $0x0  }
0x319: {  	[sflag:s14] =	ssyncadd.s32 $0xFFFFC000  }
0x31a: {  	[hbm4b:s10+s3] =	stream.linear.scatter [tilespmem:s23], [sflag:$0x2], $0x4000, $0x38;
	[tilespmem:$0x15800] =	vst v63  }
0x31b: {  	_ =	swait.ge [sflag:s24], $0x4000  }
0x31c: {  	[sflag:s24] =	ssyncset.done $0x0  }
0x31d: {  	[sflag:s24] =	ssyncadd.s32 $0xFFFFC000  }
0x31e: {  	_ =	swait.ge [sflag:s24], $0x4000  }
0x31f: {  	[sflag:s24] =	ssyncset.done $0x0  }
0x320: {  	s25 =	sadd.s32 $0x1, s25;
	[sflag:s24] =	ssyncadd.s32 $0xFFFFC000  }
0x321: {  	p0 =	sne.s32 s25, s11;
	_ =	swait.ge [sflag:s24], $0x4000  }
.Ltmp12:
0x322: {  	[sflag:s24] =	ssyncset.done $0x0;
	(pc) =	sbr.rel @p0 .LBB2_1-.Ltmp12, $4  }
.Ltmp13:
0x323: {  	[sflag:s24] =	ssyncadd.s32 $0xFFFFC000;
	(pc) =	sbr.rel @!p0 .LBB2_26-.Ltmp13, $4  }
0x324: {  	_ =	swait.ge [sflag:s24], $0x4000  }
0x325: {  	[sflag:s24] =	ssyncset.done $0x0  }
0x326: {  	[sflag:s24] =	ssyncadd.s32 $0xFFFFC000  }
0x327: {  	_ = 	snop  }
.LBB2_4:
.Ltmp14:
0x328: {  	(pc) =	sbr.rel .LBB2_13-.Ltmp14, $2  }
0x329: {  	_ =	sdelay $0x2  }
0x32a: {  	v4 =	vmov v14;
	s31 =	simm.s32 $0x0;
	p4 =	por $0x0, $0x0  }
.LBB2_14:
.Ltmp15:
0x32b: {  	(pc) =	sbr.rel .LBB2_23-.Ltmp15, $2  }
0x32c: {  	_ =	sdelay $0x2  }
0x32d: {  	s28 =	smov.u32 s26;
	v4 =	vmov v14;
	p1 =	por $0x0, $0x0;
	p2 =	por $0x0, $0x0  }
.LBB2_6:
.Ltmp16:
0x32e: {  	(pc) =	sbr.rel .LBB2_13-.Ltmp16, $2  }
0x32f: {  	_ =	sdelay $0x2  }
0x330: {  	v5 =	vmov v2;
	s29 =	simm.s32 $0x0;
	p4 =	por $0x0, $0x0  }
.LBB2_16:
.Ltmp17:
0x331: {  	(pc) =	sbr.rel .LBB2_23-.Ltmp17, $2  }
0x332: {  	_ =	sdelay $0x2  }
0x333: {  	s29 =	smov.u32 s26;
	v5 =	vmov v2;
	p2 =	por $0x0, $0x0  }
.LBB2_8:
.Ltmp18:
0x334: {  	(pc) =	sbr.rel .LBB2_13-.Ltmp18, $3  }
0x335: {  	_ =	sdelay $0x1  }
0x336: {  	v14 =	vmov v4;
	s0 =	simm.s32 $0x0  }
0x337: {  	v19 =	vmovc v8;
	v4 =	vmovc v11;
	s29 =	simm.s32 $0x10;
	s31 =	simm.s32 $0x20;
	v24 =	vmov v2;
	v9 =	vmov v6;
	p4 =	por $0x0, $0x0;
	v21 =	vmov v10  }
.LBB2_18:
.Ltmp19:
0x338: {  	(pc) =	sbr.rel .LBB2_23-.Ltmp19, $3  }
0x339: {  	_ =	sdelay $0x1  }
0x33a: {  	v14 =	vmov v4  }
0x33b: {  	v19 =	vmovc v8;
	v4 =	vmovc v11;
	s31 =	smov.u32 s26;
	s29 =	simm.s32 $0x10;
	s28 =	simm.s32 $0x20;
	v24 =	vmov v2;
	v9 =	vmov v6;
	v21 =	vmov v10  }
.LBB2_10:
.Ltmp20:
0x33c: {  	(pc) =	sbr.rel .LBB2_13-.Ltmp20, $2  }
0x33d: {  	_ =	sdelay $0x2  }
0x33e: {  	v24 =	vmov v5;
	v14 =	vmov v11;
	s30 =	simm.s32 $0x0;
	s0 =	simm.s32 $0x10;
	s31 =	simm.s32 $0x30;
	v5 =	vmov v16  }
.LBB2_20:
.Ltmp21:
0x33f: {  	(pc) =	sbr.rel .LBB2_23-.Ltmp21, $2  }
0x340: {  	_ =	sdelay $0x2  }
0x341: {  	v24 =	vmov v5;
	v14 =	vmov v11;
	s30 =	smov.u32 s26;
	s31 =	simm.s32 $0x10;
	s28 =	simm.s32 $0x30;
	v5 =	vmov v16  }
.LBB2_26:
0x342: {  	_ =	sfence.sel $0x180000  }
0x343: {  	[bflag:$0x0] =	sbarrier.arrive $0xFFFF  }
0x344: {  	_ =	strace $0x90000047  }
0x345: {  	s0 =	stileid.u32;
	[bflag:$0x2] =	sbarrier.arrive $0xFFFF  }
0x346: {  	p0 =	sne.s32 s0, $0x0;
	s0 =	rddreg [dreg:$0x4]  }
0x347: {  	s0 =	sadd.s32 @!p0 $0x100000, s0  }
0x348: {  	[sflag:s0] =	ssyncadd.tile.s32 @!p0 $0x1;
	_ =	shalt  }
.Lfunc_end2:
_tile_overlayer_lowered:
.L_overlay_start_2:
0x349: {  	(tag) =	ssettag $0x2  }
0x34a: {  	s0 =	rddreg [dreg:$0x0];
	s2 =	stileid.u32  }
0x34b: {  	s1 =	rddreg [dreg:$0x1];
	p0 =	sne.s32 s2, $0x0  }
0x34c: {  	s3 =	rddreg [dreg:$0x2];
	[bflag:$0x3] =	sbarrier.arrive $0xFFFF;
	s2 =	simm.s32 @!p0 $0x1C03  }
0x34d: {  	[timem:s3], [sflag:s2] =	dma.local @!p0 [hbm:s0], s1  }
0x34e: {  	s0 =	simm.s32 @!p0 $0x3  }
0x34f: {  	_ =	swait.ge @!p0 [sflag:s0], s1  }
0x350: {  	s1 =	ssub.s32 @!p0 $0x0, s1;
	[sflag:s0] =	ssyncset.done @!p0 $0x0  }
0x351: {  	[sflag:s0] =	ssyncadd.s32 @!p0 s1  }
0x352: {  	[bflag:$0x3] =	sbarrier.arrive $0xFFFF  }
0x353: {  	_ =	shalt  }

</sc_bundles>
